<compile_context>
chip_gen: v7x
topology: tpu7x:2x2x1
jax: 0.10.2.dev20260603
libtpu: 0.0.44.dev20260713+nightly
codegen_flags: <defaults>
</compile_context>

<pallas_src>
import functools

import jax
import jax.numpy as jnp
from jax import lax
from jax.experimental import pallas as pl
from jax.experimental.pallas import tpu as pltpu, tpu_sc as plsc

N = 4_194_304
GRID = 1024
GG = GRID * GRID
BOX = 500.0
FOV = 0.2
R_CENTER = 750.0
WIDTH = 100.0
A_CURRENT = 0.6

NC, NS, L = 2, 16, 16
NW = NC * NS
PER_W = N // NW
CH = 4096
NCHUNK = PER_W // CH
NGROUP = CH // L
SLICE = GG // NS
ZB = 8192
K = 256
KP = K + L


def _bf16_rne(v):
    u = lax.bitcast_convert_type(v, jnp.int32)
    bias = 0x7FFF + (lax.shift_right_logical(u, 16) & 1)
    u2 = (u + bias) & jnp.int32(-65536)
    return lax.bitcast_convert_type(u2, jnp.float32)


def _sc_paint(px_hbm, py_hbm, pz_hbm, vx_hbm, vy_hbm, vz_hbm, w_hbm,
              cst_hbm, out_hbm,
              pxb, pyb, pzb, vxb, vyb, vzb, wb, idxb, ctrb, cidx, cctr,
              cstb, zb, hist, insem):
    c = lax.axis_index("c")
    s = lax.axis_index("s")
    wid = c * NS + s

    zeros16 = jnp.zeros((L,), jnp.float32)

    def _zb_body(i, _):
        zb[pl.ds(i * L, L)] = zeros16
        return _

    lax.fori_loop(0, ZB // L, _zb_body, 0, unroll=4)
    for q in range(SLICE // ZB):
        pltpu.sync_copy(zb, hist.at[pl.ds(s * SLICE + q * ZB, ZB)])

    pltpu.sync_copy(cst_hbm, cstb)
    m00 = cstb[pl.ds(0, L)]
    m01 = cstb[pl.ds(16, L)]
    m02 = cstb[pl.ds(32, L)]
    m10 = cstb[pl.ds(48, L)]
    m11 = cstb[pl.ds(64, L)]
    m12 = cstb[pl.ds(80, L)]
    m20 = cstb[pl.ds(96, L)]
    m21 = cstb[pl.ds(112, L)]
    m22 = cstb[pl.ds(128, L)]
    o0 = cstb[pl.ds(144, L)]
    o1 = cstb[pl.ds(160, L)]
    o2 = cstb[pl.ds(176, L)]
    t_lo = cstb[pl.ds(192, L)]
    t_hi = cstb[pl.ds(208, L)]

    plsc.subcore_barrier()

    hbm_bufs = ((px_hbm, pxb), (py_hbm, pyb), (pz_hbm, pzb),
                (vx_hbm, vxb), (vy_hbm, vyb), (vz_hbm, vzb), (w_hbm, wb))

    def _fire(t):
        base = wid * PER_W + t * CH
        for src, dst in hbm_bufs:
            pltpu.async_copy(src.at[pl.ds(base, CH)], dst, insem)

    def _wait(t):
        base = wid * PER_W + t * CH
        for src, dst in hbm_bufs:
            pltpu.make_async_copy(src.at[pl.ds(base, CH)], dst, insem).wait()

    _fire(0)

    def _chunk(t, _):
        _wait(t)

        for q in range(KP // L):
            cctr[pl.ds(q * L, L)] = zeros16
            cidx[pl.ds(q * L, L)] = jnp.zeros((L,), jnp.int32)

        def _group(g, off):
            o = g * L
            px = pxb[pl.ds(o, L)]
            py = pyb[pl.ds(o, L)]
            pz = pzb[pl.ds(o, L)]
            vx = vxb[pl.ds(o, L)]
            vy = vyb[pl.ds(o, L)]
            vz = vzb[pl.ds(o, L)]
            w = wb[pl.ds(o, L)]

            dxp = px
            dyp = py
            dzp = pz
            x = m00 * dxp + m01 * dyp + m02 * dzp
            y = m10 * dxp + m11 * dyp + m12 * dzp
            z = m20 * dxp + m21 * dyp + m22 * dzp + 500.0
            rvx = m00 * vx + m01 * vy + m02 * vz
            rvy = m10 * vx + m11 * vy + m12 * vz
            rvz = m20 * vx + m21 * vy + m22 * vz

            d2 = jnp.maximum(x * x + y * y + z * z, 1e-12)
            ii = lax.bitcast_convert_type(d2, jnp.int32)
            ii = 0x5F3759DF - lax.shift_right_logical(ii, 1)
            yv = lax.bitcast_convert_type(ii, jnp.float32)
            for _i in range(3):
                yv = yv * (1.5 - 0.5 * d2 * yv * yv)
            dist = d2 * yv
            a_t = 1.0 / (1.0 + dist / 3000.0)
            drift = a_t - A_CURRENT
            xd = x + drift * rvx
            yd = y + drift * rvy
            zd = z + drift * rvz

            r2 = xd * xd + yd * yd + zd * zd
            in_shell = (r2 >= t_lo) & (r2 < t_hi) & (zd > 1e-3)
            zsafe = jnp.maximum(zd, 1e-3)
            sx = (xd / zsafe / FOV + 0.5) * 1024.0
            sy = (yd / zsafe / FOV + 0.5) * 1024.0
            valid = in_shell & (sx >= 0.0) & (sx < GRID) & (sy >= 0.0) & (sy < GRID)
            ix = jnp.clip(sx, 0.0, GRID - 1.0).astype(jnp.int32)
            iy = jnp.clip(sy, 0.0, GRID - 1.0).astype(jnp.int32)
            flat = lax.shift_left(iy, 10) + ix
            contrib = jnp.where(valid, w, 0.0)
            idxb[pl.ds(o, L)] = flat
            ctrb[pl.ds(o, L)] = contrib
            os_ = jnp.minimum(off, K)
            plsc.store_compressed(cidx.at[pl.ds(os_, L)], flat, mask=valid)
            plsc.store_compressed(cctr.at[pl.ds(os_, L)], contrib, mask=valid)
            cnt = plsc.all_reduce_population_count(valid)
            return off + jnp.max(cnt)

        tcnt = plsc.parallel_loop(0, NGROUP, 1, unroll=4,
                                  carry=jnp.int32(0))(_group)

        @pl.when(t < NCHUNK - 1)
        def _prefetch():
            _fire(t + 1)

        @pl.when(tcnt <= K)
        def _scatter_small():
            pltpu.sync_copy(cctr, hist.at[cidx], add=True)

        @pl.when(tcnt > K)
        def _scatter_full():
            pltpu.sync_copy(ctrb, hist.at[idxb], add=True)

        return _

    lax.fori_loop(0, NCHUNK, _chunk, 0)

    plsc.subcore_barrier()
    pltpu.sync_copy(hist.at[pl.ds(s * SLICE, SLICE)],
                    out_hbm.at[c, pl.ds(s * SLICE, SLICE)])


@jax.jit
def _paint(px, py, pz, vx, vy, vz, weights, consts):
    mesh = plsc.VectorSubcoreMesh(core_axis_name="c", subcore_axis_name="s",
                                  num_cores=NC, num_subcores=NS)
    comp = pltpu.VMEM((CH,), jnp.float32)
    return pl.kernel(
        _sc_paint,
        out_type=jax.ShapeDtypeStruct((NC, GG), jnp.float32),
        mesh=mesh,
        compiler_params=pltpu.CompilerParams(needs_layout_passes=False),
        scratch_types=[
            comp, comp, comp, comp, comp, comp,
            comp,
            pltpu.VMEM((CH,), jnp.int32),
            pltpu.VMEM((CH,), jnp.float32),
            pltpu.VMEM((KP,), jnp.int32),
            pltpu.VMEM((KP,), jnp.float32),
            pltpu.VMEM((14 * L,), jnp.float32),
            pltpu.VMEM((ZB,), jnp.float32),
            pltpu.VMEM_SHARED((GG,), jnp.float32),
            pltpu.SemaphoreType.DMA,
        ],
    )(px, py, pz, vx, vy, vz, weights, consts)


def _combine_body(p_ref, o_ref):
    s = p_ref[0] + p_ref[1]
    o_ref[...] = s.reshape(GRID // 16, GRID)


@jax.jit
def _combine(partials):
    return pl.pallas_call(
        _combine_body,
        out_shape=jax.ShapeDtypeStruct((GRID, GRID), jnp.float32),
        grid=(16,),
        in_specs=[pl.BlockSpec((NC, GG // 16), lambda i: (0, i))],
        out_specs=pl.BlockSpec((GRID // 16, GRID), lambda i: (i, 0)),
    )(partials)


def _sqrt_threshold(root):
    import numpy as np
    t0 = np.float32(root) * np.float32(root)
    ulp = np.spacing(t0)
    cands = jnp.float32(t0) + jnp.arange(-64, 65, dtype=jnp.float32) * jnp.float32(ulp)
    return jnp.min(jnp.where(jnp.sqrt(cands) >= root, cands, jnp.inf))


def kernel(positions, velocities, weights, rotation, observer):
    mf = rotation.astype(jnp.float32)
    consts = jnp.concatenate([
        mf.reshape(9), observer.astype(jnp.float32),
        _sqrt_threshold(R_CENTER - WIDTH / 2.0)[None],
        _sqrt_threshold(R_CENTER + WIDTH / 2.0)[None],
    ])
    consts_b = jnp.broadcast_to(consts[:, None], (14, L)).reshape(14 * L)
    partials = _paint(_bf16_rne(positions[:, 0] - observer[0]),
                      _bf16_rne(positions[:, 1] - observer[1]),
                      _bf16_rne(positions[:, 2] - observer[2]),
                      _bf16_rne(velocities[:, 0]),
                      _bf16_rne(velocities[:, 1]),
                      _bf16_rne(velocities[:, 2]),
                      weights, consts_b)
    return _combine(partials)

# --- scband reference (transcript-rebuilt; emitter-appended) ---
"""Pipeline reference for scband-telephoto-interp-77764677861766 (READ-ONLY COPY).

The authoritative reference and input builder live on the scoring server;
editing this copy changes nothing except your own understanding.
"""

import jax, jax.numpy as jnp
import numpy as np

N = 4_194_304
GRID = 1024
BOX = 500.0            # Mpc/h, max_comoving_distance
FOV = 0.2              # total flat-sky field of view in radians (narrow 'telephoto' FOV)
R_CENTER = 750.0       # shell center beyond the box -> telephoto branch
WIDTH = 100.0          # density shell width
A_CURRENT = 0.6        # current scale factor t


def a_of_chi(chi):
    # Simple monotone flat-LCDM-like approximation of jc.background.a_of_chi:
    # chi ~ (c/H0) * z for moderate z, with c/H0 ~ 3000 Mpc/h.
    return 1.0 / (1.0 + chi / 3000.0)


def Gp(a):
    # Growth-factor-form drift potential; matter-dominated approximation Gp(a) ~ a.
    return a


def dGfa(a):
    # Derivative term in drift factor denominator; normalized approximation.
    return jnp.ones_like(a)


def setup_inputs(seed: int = 0) -> dict:
    key = jax.random.key(seed)
    k1, k2, k3 = jax.random.split(key, 3)
    positions = jax.random.uniform(k1, (N, 3), dtype=jnp.float32) * BOX
    velocities = jax.random.normal(k2, (N, 3), dtype=jnp.float32) * 2.0
    weights = jax.random.uniform(k3, (N,), dtype=jnp.float32)
    # One of the 47 non-identity cubic symmetries (a cyclic permutation matrix).
    rotation = jnp.array([[0, 1, 0], [0, 0, 1], [1, 0, 0]], dtype=jnp.int32)
    observer = jnp.array([BOX / 2.0, BOX / 2.0, 0.0], dtype=jnp.float32)
    return {
        "positions": positions,
        "velocities": velocities,
        "weights": weights,
        "rotation": rotation,
        "observer": observer,
    }


def reference(positions, velocities, weights, rotation, observer):
    M = rotation.astype(jnp.float32)
    # --- _paint_telephoto: rotate + shift ---
    p_centered = positions - observer
    p_rotated = jnp.einsum('ij,nj->ni', M, p_centered)
    shift_distance = jnp.floor(R_CENTER / BOX) * BOX
    z_axis = jnp.array([0.0, 0.0, 1.0], dtype=jnp.float32)
    p_shifted = p_rotated + z_axis * shift_distance
    v_rotated = jnp.einsum('ij,nj->ni', M, velocities)
    # --- drift particles to their lightcone-crossing time ---
    dist_mpc = jnp.linalg.norm(p_shifted, axis=-1)
    a_target = a_of_chi(dist_mpc)[:, None]
    ac = jnp.sqrt(A_CURRENT * a_target)
    drift_factor = (Gp(a_target) - Gp(A_CURRENT)) / dGfa(ac)
    p_drifted = p_shifted + drift_factor * v_rotated
    # --- paint_2d: flat-sky histogram binning (scatter-add) ---
    x = p_drifted[:, 0]
    y = p_drifted[:, 1]
    z = p_drifted[:, 2]
    r = jnp.linalg.norm(p_drifted, axis=-1)
    in_shell = (r >= R_CENTER - WIDTH / 2.0) & (r < R_CENTER + WIDTH / 2.0) & (z > 1e-3)
    zsafe = jnp.maximum(z, 1e-3)
    theta_x = x / zsafe
    theta_y = y / zsafe
    ix = jnp.floor((theta_x / FOV + 0.5) * GRID).astype(jnp.int32)
    iy = jnp.floor((theta_y / FOV + 0.5) * GRID).astype(jnp.int32)
    valid = in_shell & (ix >= 0) & (ix < GRID) & (iy >= 0) & (iy < GRID)
    flat_idx = jnp.clip(iy, 0, GRID - 1) * GRID + jnp.clip(ix, 0, GRID - 1)
    contrib = jnp.where(valid, weights, 0.0)
    sph_map = jnp.zeros((GRID * GRID,), dtype=jnp.float32).at[flat_idx].add(contrib)
    return sph_map.reshape(GRID, GRID)

if __name__ == "__main__":
    import jax
    _d = setup_inputs()
    print(jax.jit(kernel)(*tuple(_d.values())))

</pallas_src>

<mosaic_0001>
#map = affine_map<(d0, d1) -> (0)>
#map1 = affine_map<(d0, d1) -> (0, 0)>
module attributes {stable_mosaic.version = 14 : i64} {
  func.func @_sc_paint(%arg0: i32, %arg1: i32, %arg2: memref<4194304xf32, #tpu.memory_space<hbm>>, %arg3: memref<4194304xf32, #tpu.memory_space<hbm>>, %arg4: memref<4194304xf32, #tpu.memory_space<hbm>>, %arg5: memref<4194304xf32, #tpu.memory_space<hbm>>, %arg6: memref<4194304xf32, #tpu.memory_space<hbm>>, %arg7: memref<4194304xf32, #tpu.memory_space<hbm>>, %arg8: memref<4194304xf32, #tpu.memory_space<hbm>>, %arg9: memref<224xf32, #tpu.memory_space<hbm>>, %arg10: memref<2x1048576xf32, #tpu.memory_space<hbm>>, %arg11: memref<4096xf32, #tpu.memory_space<vmem>>, %arg12: memref<4096xf32, #tpu.memory_space<vmem>>, %arg13: memref<4096xf32, #tpu.memory_space<vmem>>, %arg14: memref<4096xf32, #tpu.memory_space<vmem>>, %arg15: memref<4096xf32, #tpu.memory_space<vmem>>, %arg16: memref<4096xf32, #tpu.memory_space<vmem>>, %arg17: memref<4096xf32, #tpu.memory_space<vmem>>, %arg18: memref<4096xi32, #tpu.memory_space<vmem>>, %arg19: memref<4096xf32, #tpu.memory_space<vmem>>, %arg20: memref<272xi32, #tpu.memory_space<vmem>>, %arg21: memref<272xf32, #tpu.memory_space<vmem>>, %arg22: memref<224xf32, #tpu.memory_space<vmem>>, %arg23: memref<8192xf32, #tpu.memory_space<vmem>>, %arg24: memref<1048576xf32, #tpu.memory_space<vmem_shared>>, %arg25: memref<!tpu.dma_semaphore, #tpu.memory_space<semaphore_mem>>) attributes {dimension_semantics = [#tpu.dimension_semantics<core_parallel>, #tpu.dimension_semantics<subcore_parallel>], iteration_bounds = array<i64: 2, 16>, scalar_prefetch = 0 : i64, scratch_operands = 15 : i64, tpu.core_type = #tpu.core_type<sc_vector_subcore>, window_params = [{transform_indices = #map}, {transform_indices = #map}, {transform_indices = #map}, {transform_indices = #map}, {transform_indices = #map}, {transform_indices = #map}, {transform_indices = #map}, {transform_indices = #map}, {transform_indices = #map1}]} {
    %mul3A = arith.constant 16 : i32
    %mul3A_0 = arith.muli %arg0, %mul3A : i32
    %add3A = arith.addi %mul3A_0, %arg1 : i32
    %broadcast_in_dim3A = arith.constant 0.000000e+00 : f32
    %broadcast_in_dim3A_1 = vector.broadcast %broadcast_in_dim3A : f32 to vector<16xf32>
    %scan3A = arith.constant 0 : i32
    %scan3A_2 = arith.constant 0 : i32
    %scan3A_3 = arith.constant 512 : i32
    %scan3A_4 = arith.addi %scan3A_2, %scan3A_3 : i32
    %scan3A_5 = arith.constant 4 : i32
    scf.for %scan3A_94 = %scan3A_2 to %scan3A_4 step %scan3A_5  : i32 {
      %mul3A_95 = arith.constant 16 : i32
      %mul3A_96 = arith.muli %scan3A_94, %mul3A_95 : i32
      %swap3A = arith.index_cast %mul3A_96 : i32 to index
      %swap3A_97 = tpu.vector_load %arg23[%swap3A] {strides = array<i32>} : memref<8192xf32, #tpu.memory_space<vmem>>, vector<16xf32>,
      tpu.vector_store %arg23[%swap3A], %broadcast_in_dim3A_1 {strides = array<i32>} : memref<8192xf32, #tpu.memory_space<vmem>>, vector<16xf32>,
      %scan3A_98 = arith.constant 1 : i32
      %scan3A_99 = arith.addi %scan3A_94, %scan3A_98 : i32
      %mul3A_100 = arith.constant 16 : i32
      %mul3A_101 = arith.muli %scan3A_99, %mul3A_100 : i32
      %swap3A_102 = arith.index_cast %mul3A_101 : i32 to index
      %swap3A_103 = tpu.vector_load %arg23[%swap3A_102] {strides = array<i32>} : memref<8192xf32, #tpu.memory_space<vmem>>, vector<16xf32>,
      tpu.vector_store %arg23[%swap3A_102], %broadcast_in_dim3A_1 {strides = array<i32>} : memref<8192xf32, #tpu.memory_space<vmem>>, vector<16xf32>,
      %scan3A_104 = arith.constant 2 : i32
      %scan3A_105 = arith.addi %scan3A_94, %scan3A_104 : i32
      %mul3A_106 = arith.constant 16 : i32
      %mul3A_107 = arith.muli %scan3A_105, %mul3A_106 : i32
      %swap3A_108 = arith.index_cast %mul3A_107 : i32 to index
      %swap3A_109 = tpu.vector_load %arg23[%swap3A_108] {strides = array<i32>} : memref<8192xf32, #tpu.memory_space<vmem>>, vector<16xf32>,
      tpu.vector_store %arg23[%swap3A_108], %broadcast_in_dim3A_1 {strides = array<i32>} : memref<8192xf32, #tpu.memory_space<vmem>>, vector<16xf32>,
      %scan3A_110 = arith.constant 3 : i32
      %scan3A_111 = arith.addi %scan3A_94, %scan3A_110 : i32
      %mul3A_112 = arith.constant 16 : i32
      %mul3A_113 = arith.muli %scan3A_111, %mul3A_112 : i32
      %swap3A_114 = arith.index_cast %mul3A_113 : i32 to index
      %swap3A_115 = tpu.vector_load %arg23[%swap3A_114] {strides = array<i32>} : memref<8192xf32, #tpu.memory_space<vmem>>, vector<16xf32>,
      tpu.vector_store %arg23[%swap3A_114], %broadcast_in_dim3A_1 {strides = array<i32>} : memref<8192xf32, #tpu.memory_space<vmem>>, vector<16xf32>,
    }
    %scan3A_6 = arith.constant 512 : i32
    %mul3A_7 = arith.constant 65536 : i32
    %mul3A_8 = arith.muli %arg1, %mul3A_7 : i32
    %add3A_9 = arith.constant 0 : i32
    %add3A_10 = arith.addi %mul3A_8, %add3A_9 : i32
    "tpu.region"() ({
      %run_scoped3A = tpu.sem_alloc : memref<!tpu.dma_semaphore, #tpu.memory_space<semaphore_mem>>
      %dma_start3A_94 = tpu.memref_slice %arg24[%add3A_10] : memref<1048576xf32, #tpu.memory_space<vmem_shared>> -> memref<8192xf32, #tpu.memory_space<vmem_shared>>
      %dma_start3A_95 = tpu.memref_slice %arg24[%add3A_10] : memref<1048576xf32, #tpu.memory_space<vmem_shared>> -> memref<8192xf32, #tpu.memory_space<vmem_shared>>
      tpu.enqueue_dma source(%arg23 : memref<8192xf32, #tpu.memory_space<vmem>>) target(%dma_start3A_95 : memref<8192xf32, #tpu.memory_space<vmem_shared>>) target_semaphore(%run_scoped3A : memref<!tpu.dma_semaphore, #tpu.memory_space<semaphore_mem>>)
      %dma_wait3A = tpu.memref_slice %arg24[%add3A_10] : memref<1048576xf32, #tpu.memory_space<vmem_shared>> -> memref<8192xf32, #tpu.memory_space<vmem_shared>>
      %dma_wait3A_96 = tpu.memref_slice %arg24[%add3A_10] : memref<1048576xf32, #tpu.memory_space<vmem_shared>> -> memref<8192xf32, #tpu.memory_space<vmem_shared>>
      tpu.wait_dma2 semaphore(%run_scoped3A : memref<!tpu.dma_semaphore, #tpu.memory_space<semaphore_mem>>) src(%arg23 : memref<8192xf32, #tpu.memory_space<vmem>>) dst(%dma_wait3A_96 : memref<8192xf32, #tpu.memory_space<vmem_shared>>)
      tpu.yield
    }) : () -> ()
    %mul3A_11 = arith.constant 65536 : i32
    %mul3A_12 = arith.muli %arg1, %mul3A_11 : i32
    %add3A_13 = arith.constant 8192 : i32
    %add3A_14 = arith.addi %mul3A_12, %add3A_13 : i32
    "tpu.region"() ({
      %run_scoped3A = tpu.sem_alloc : memref<!tpu.dma_semaphore, #tpu.memory_space<semaphore_mem>>
      %dma_start3A_94 = tpu.memref_slice %arg24[%add3A_14] : memref<1048576xf32, #tpu.memory_space<vmem_shared>> -> memref<8192xf32, #tpu.memory_space<vmem_shared>>
      %dma_start3A_95 = tpu.memref_slice %arg24[%add3A_14] : memref<1048576xf32, #tpu.memory_space<vmem_shared>> -> memref<8192xf32, #tpu.memory_space<vmem_shared>>
      tpu.enqueue_dma source(%arg23 : memref<8192xf32, #tpu.memory_space<vmem>>) target(%dma_start3A_95 : memref<8192xf32, #tpu.memory_space<vmem_shared>>) target_semaphore(%run_scoped3A : memref<!tpu.dma_semaphore, #tpu.memory_space<semaphore_mem>>)
      %dma_wait3A = tpu.memref_slice %arg24[%add3A_14] : memref<1048576xf32, #tpu.memory_space<vmem_shared>> -> memref<8192xf32, #tpu.memory_space<vmem_shared>>
      %dma_wait3A_96 = tpu.memref_slice %arg24[%add3A_14] : memref<1048576xf32, #tpu.memory_space<vmem_shared>> -> memref<8192xf32, #tpu.memory_space<vmem_shared>>
      tpu.wait_dma2 semaphore(%run_scoped3A : memref<!tpu.dma_semaphore, #tpu.memory_space<semaphore_mem>>) src(%arg23 : memref<8192xf32, #tpu.memory_space<vmem>>) dst(%dma_wait3A_96 : memref<8192xf32, #tpu.memory_space<vmem_shared>>)
      tpu.yield
    }) : () -> ()
    %mul3A_15 = arith.constant 65536 : i32
    %mul3A_16 = arith.muli %arg1, %mul3A_15 : i32
    %add3A_17 = arith.constant 16384 : i32
    %add3A_18 = arith.addi %mul3A_16, %add3A_17 : i32
    "tpu.region"() ({
      %run_scoped3A = tpu.sem_alloc : memref<!tpu.dma_semaphore, #tpu.memory_space<semaphore_mem>>
      %dma_start3A_94 = tpu.memref_slice %arg24[%add3A_18] : memref<1048576xf32, #tpu.memory_space<vmem_shared>> -> memref<8192xf32, #tpu.memory_space<vmem_shared>>
      %dma_start3A_95 = tpu.memref_slice %arg24[%add3A_18] : memref<1048576xf32, #tpu.memory_space<vmem_shared>> -> memref<8192xf32, #tpu.memory_space<vmem_shared>>
      tpu.enqueue_dma source(%arg23 : memref<8192xf32, #tpu.memory_space<vmem>>) target(%dma_start3A_95 : memref<8192xf32, #tpu.memory_space<vmem_shared>>) target_semaphore(%run_scoped3A : memref<!tpu.dma_semaphore, #tpu.memory_space<semaphore_mem>>)
      %dma_wait3A = tpu.memref_slice %arg24[%add3A_18] : memref<1048576xf32, #tpu.memory_space<vmem_shared>> -> memref<8192xf32, #tpu.memory_space<vmem_shared>>
      %dma_wait3A_96 = tpu.memref_slice %arg24[%add3A_18] : memref<1048576xf32, #tpu.memory_space<vmem_shared>> -> memref<8192xf32, #tpu.memory_space<vmem_shared>>
      tpu.wait_dma2 semaphore(%run_scoped3A : memref<!tpu.dma_semaphore, #tpu.memory_space<semaphore_mem>>) src(%arg23 : memref<8192xf32, #tpu.memory_space<vmem>>) dst(%dma_wait3A_96 : memref<8192xf32, #tpu.memory_space<vmem_shared>>)
      tpu.yield
    }) : () -> ()
    %mul3A_19 = arith.constant 65536 : i32
    %mul3A_20 = arith.muli %arg1, %mul3A_19 : i32
    %add3A_21 = arith.constant 24576 : i32
    %add3A_22 = arith.addi %mul3A_20, %add3A_21 : i32
    "tpu.region"() ({
      %run_scoped3A = tpu.sem_alloc : memref<!tpu.dma_semaphore, #tpu.memory_space<semaphore_mem>>
      %dma_start3A_94 = tpu.memref_slice %arg24[%add3A_22] : memref<1048576xf32, #tpu.memory_space<vmem_shared>> -> memref<8192xf32, #tpu.memory_space<vmem_shared>>
      %dma_start3A_95 = tpu.memref_slice %arg24[%add3A_22] : memref<1048576xf32, #tpu.memory_space<vmem_shared>> -> memref<8192xf32, #tpu.memory_space<vmem_shared>>
      tpu.enqueue_dma source(%arg23 : memref<8192xf32, #tpu.memory_space<vmem>>) target(%dma_start3A_95 : memref<8192xf32, #tpu.memory_space<vmem_shared>>) target_semaphore(%run_scoped3A : memref<!tpu.dma_semaphore, #tpu.memory_space<semaphore_mem>>)
      %dma_wait3A = tpu.memref_slice %arg24[%add3A_22] : memref<1048576xf32, #tpu.memory_space<vmem_shared>> -> memref<8192xf32, #tpu.memory_space<vmem_shared>>
      %dma_wait3A_96 = tpu.memref_slice %arg24[%add3A_22] : memref<1048576xf32, #tpu.memory_space<vmem_shared>> -> memref<8192xf32, #tpu.memory_space<vmem_shared>>
      tpu.wait_dma2 semaphore(%run_scoped3A : memref<!tpu.dma_semaphore, #tpu.memory_space<semaphore_mem>>) src(%arg23 : memref<8192xf32, #tpu.memory_space<vmem>>) dst(%dma_wait3A_96 : memref<8192xf32, #tpu.memory_space<vmem_shared>>)
      tpu.yield
    }) : () -> ()
    %mul3A_23 = arith.constant 65536 : i32
    %mul3A_24 = arith.muli %arg1, %mul3A_23 : i32
    %add3A_25 = arith.constant 32768 : i32
    %add3A_26 = arith.addi %mul3A_24, %add3A_25 : i32
    "tpu.region"() ({
      %run_scoped3A = tpu.sem_alloc : memref<!tpu.dma_semaphore, #tpu.memory_space<semaphore_mem>>
      %dma_start3A_94 = tpu.memref_slice %arg24[%add3A_26] : memref<1048576xf32, #tpu.memory_space<vmem_shared>> -> memref<8192xf32, #tpu.memory_space<vmem_shared>>
      %dma_start3A_95 = tpu.memref_slice %arg24[%add3A_26] : memref<1048576xf32, #tpu.memory_space<vmem_shared>> -> memref<8192xf32, #tpu.memory_space<vmem_shared>>
      tpu.enqueue_dma source(%arg23 : memref<8192xf32, #tpu.memory_space<vmem>>) target(%dma_start3A_95 : memref<8192xf32, #tpu.memory_space<vmem_shared>>) target_semaphore(%run_scoped3A : memref<!tpu.dma_semaphore, #tpu.memory_space<semaphore_mem>>)
      %dma_wait3A = tpu.memref_slice %arg24[%add3A_26] : memref<1048576xf32, #tpu.memory_space<vmem_shared>> -> memref<8192xf32, #tpu.memory_space<vmem_shared>>
      %dma_wait3A_96 = tpu.memref_slice %arg24[%add3A_26] : memref<1048576xf32, #tpu.memory_space<vmem_shared>> -> memref<8192xf32, #tpu.memory_space<vmem_shared>>
      tpu.wait_dma2 semaphore(%run_scoped3A : memref<!tpu.dma_semaphore, #tpu.memory_space<semaphore_mem>>) src(%arg23 : memref<8192xf32, #tpu.memory_space<vmem>>) dst(%dma_wait3A_96 : memref<8192xf32, #tpu.memory_space<vmem_shared>>)
      tpu.yield
    }) : () -> ()
    %mul3A_27 = arith.constant 65536 : i32
    %mul3A_28 = arith.muli %arg1, %mul3A_27 : i32
    %add3A_29 = arith.constant 40960 : i32
    %add3A_30 = arith.addi %mul3A_28, %add3A_29 : i32
    "tpu.region"() ({
      %run_scoped3A = tpu.sem_alloc : memref<!tpu.dma_semaphore, #tpu.memory_space<semaphore_mem>>
      %dma_start3A_94 = tpu.memref_slice %arg24[%add3A_30] : memref<1048576xf32, #tpu.memory_space<vmem_shared>> -> memref<8192xf32, #tpu.memory_space<vmem_shared>>
      %dma_start3A_95 = tpu.memref_slice %arg24[%add3A_30] : memref<1048576xf32, #tpu.memory_space<vmem_shared>> -> memref<8192xf32, #tpu.memory_space<vmem_shared>>
      tpu.enqueue_dma source(%arg23 : memref<8192xf32, #tpu.memory_space<vmem>>) target(%dma_start3A_95 : memref<8192xf32, #tpu.memory_space<vmem_shared>>) target_semaphore(%run_scoped3A : memref<!tpu.dma_semaphore, #tpu.memory_space<semaphore_mem>>)
      %dma_wait3A = tpu.memref_slice %arg24[%add3A_30] : memref<1048576xf32, #tpu.memory_space<vmem_shared>> -> memref<8192xf32, #tpu.memory_space<vmem_shared>>
      %dma_wait3A_96 = tpu.memref_slice %arg24[%add3A_30] : memref<1048576xf32, #tpu.memory_space<vmem_shared>> -> memref<8192xf32, #tpu.memory_space<vmem_shared>>
      tpu.wait_dma2 semaphore(%run_scoped3A : memref<!tpu.dma_semaphore, #tpu.memory_space<semaphore_mem>>) src(%arg23 : memref<8192xf32, #tpu.memory_space<vmem>>) dst(%dma_wait3A_96 : memref<8192xf32, #tpu.memory_space<vmem_shared>>)
      tpu.yield
    }) : () -> ()
    %mul3A_31 = arith.constant 65536 : i32
    %mul3A_32 = arith.muli %arg1, %mul3A_31 : i32
    %add3A_33 = arith.constant 49152 : i32
    %add3A_34 = arith.addi %mul3A_32, %add3A_33 : i32
    "tpu.region"() ({
      %run_scoped3A = tpu.sem_alloc : memref<!tpu.dma_semaphore, #tpu.memory_space<semaphore_mem>>
      %dma_start3A_94 = tpu.memref_slice %arg24[%add3A_34] : memref<1048576xf32, #tpu.memory_space<vmem_shared>> -> memref<8192xf32, #tpu.memory_space<vmem_shared>>
      %dma_start3A_95 = tpu.memref_slice %arg24[%add3A_34] : memref<1048576xf32, #tpu.memory_space<vmem_shared>> -> memref<8192xf32, #tpu.memory_space<vmem_shared>>
      tpu.enqueue_dma source(%arg23 : memref<8192xf32, #tpu.memory_space<vmem>>) target(%dma_start3A_95 : memref<8192xf32, #tpu.memory_space<vmem_shared>>) target_semaphore(%run_scoped3A : memref<!tpu.dma_semaphore, #tpu.memory_space<semaphore_mem>>)
      %dma_wait3A = tpu.memref_slice %arg24[%add3A_34] : memref<1048576xf32, #tpu.memory_space<vmem_shared>> -> memref<8192xf32, #tpu.memory_space<vmem_shared>>
      %dma_wait3A_96 = tpu.memref_slice %arg24[%add3A_34] : memref<1048576xf32, #tpu.memory_space<vmem_shared>> -> memref<8192xf32, #tpu.memory_space<vmem_shared>>
      tpu.wait_dma2 semaphore(%run_scoped3A : memref<!tpu.dma_semaphore, #tpu.memory_space<semaphore_mem>>) src(%arg23 : memref<8192xf32, #tpu.memory_space<vmem>>) dst(%dma_wait3A_96 : memref<8192xf32, #tpu.memory_space<vmem_shared>>)
      tpu.yield
    }) : () -> ()
    %mul3A_35 = arith.constant 65536 : i32
    %mul3A_36 = arith.muli %arg1, %mul3A_35 : i32
    %add3A_37 = arith.constant 57344 : i32
    %add3A_38 = arith.addi %mul3A_36, %add3A_37 : i32
    "tpu.region"() ({
      %run_scoped3A = tpu.sem_alloc : memref<!tpu.dma_semaphore, #tpu.memory_space<semaphore_mem>>
      %dma_start3A_94 = tpu.memref_slice %arg24[%add3A_38] : memref<1048576xf32, #tpu.memory_space<vmem_shared>> -> memref<8192xf32, #tpu.memory_space<vmem_shared>>
      %dma_start3A_95 = tpu.memref_slice %arg24[%add3A_38] : memref<1048576xf32, #tpu.memory_space<vmem_shared>> -> memref<8192xf32, #tpu.memory_space<vmem_shared>>
      tpu.enqueue_dma source(%arg23 : memref<8192xf32, #tpu.memory_space<vmem>>) target(%dma_start3A_95 : memref<8192xf32, #tpu.memory_space<vmem_shared>>) target_semaphore(%run_scoped3A : memref<!tpu.dma_semaphore, #tpu.memory_space<semaphore_mem>>)
      %dma_wait3A = tpu.memref_slice %arg24[%add3A_38] : memref<1048576xf32, #tpu.memory_space<vmem_shared>> -> memref<8192xf32, #tpu.memory_space<vmem_shared>>
      %dma_wait3A_96 = tpu.memref_slice %arg24[%add3A_38] : memref<1048576xf32, #tpu.memory_space<vmem_shared>> -> memref<8192xf32, #tpu.memory_space<vmem_shared>>
      tpu.wait_dma2 semaphore(%run_scoped3A : memref<!tpu.dma_semaphore, #tpu.memory_space<semaphore_mem>>) src(%arg23 : memref<8192xf32, #tpu.memory_space<vmem>>) dst(%dma_wait3A_96 : memref<8192xf32, #tpu.memory_space<vmem_shared>>)
      tpu.yield
    }) : () -> ()
    "tpu.region"() ({
      %run_scoped3A = tpu.sem_alloc : memref<!tpu.dma_semaphore, #tpu.memory_space<semaphore_mem>>
      tpu.enqueue_dma source(%arg9 : memref<224xf32, #tpu.memory_space<hbm>>) target(%arg22 : memref<224xf32, #tpu.memory_space<vmem>>) target_semaphore(%run_scoped3A : memref<!tpu.dma_semaphore, #tpu.memory_space<semaphore_mem>>)
      tpu.wait_dma2 semaphore(%run_scoped3A : memref<!tpu.dma_semaphore, #tpu.memory_space<semaphore_mem>>) src(%arg9 : memref<224xf32, #tpu.memory_space<hbm>>) dst(%arg22 : memref<224xf32, #tpu.memory_space<vmem>>)
      tpu.yield
    }) : () -> ()
    %get3A = arith.constant 0 : index
    %get3A_39 = tpu.vector_load %arg22[%get3A] {strides = array<i32>} : memref<224xf32, #tpu.memory_space<vmem>>, vector<16xf32>,
    %get3A_40 = arith.constant 16 : index
    %get3A_41 = tpu.vector_load %arg22[%get3A_40] {strides = array<i32>} : memref<224xf32, #tpu.memory_space<vmem>>, vector<16xf32>,
    %get3A_42 = arith.constant 32 : index
    %get3A_43 = tpu.vector_load %arg22[%get3A_42] {strides = array<i32>} : memref<224xf32, #tpu.memory_space<vmem>>, vector<16xf32>,
    %get3A_44 = arith.constant 48 : index
    %get3A_45 = tpu.vector_load %arg22[%get3A_44] {strides = array<i32>} : memref<224xf32, #tpu.memory_space<vmem>>, vector<16xf32>,
    %get3A_46 = arith.constant 64 : index
    %get3A_47 = tpu.vector_load %arg22[%get3A_46] {strides = array<i32>} : memref<224xf32, #tpu.memory_space<vmem>>, vector<16xf32>,
    %get3A_48 = arith.constant 80 : index
    %get3A_49 = tpu.vector_load %arg22[%get3A_48] {strides = array<i32>} : memref<224xf32, #tpu.memory_space<vmem>>, vector<16xf32>,
    %get3A_50 = arith.constant 96 : index
    %get3A_51 = tpu.vector_load %arg22[%get3A_50] {strides = array<i32>} : memref<224xf32, #tpu.memory_space<vmem>>, vector<16xf32>,
    %get3A_52 = arith.constant 112 : index
    %get3A_53 = tpu.vector_load %arg22[%get3A_52] {strides = array<i32>} : memref<224xf32, #tpu.memory_space<vmem>>, vector<16xf32>,
    %get3A_54 = arith.constant 128 : index
    %get3A_55 = tpu.vector_load %arg22[%get3A_54] {strides = array<i32>} : memref<224xf32, #tpu.memory_space<vmem>>, vector<16xf32>,
    %get3A_56 = arith.constant 144 : index
    %get3A_57 = tpu.vector_load %arg22[%get3A_56] {strides = array<i32>} : memref<224xf32, #tpu.memory_space<vmem>>, vector<16xf32>,
    %get3A_58 = arith.constant 160 : index
    %get3A_59 = tpu.vector_load %arg22[%get3A_58] {strides = array<i32>} : memref<224xf32, #tpu.memory_space<vmem>>, vector<16xf32>,
    %get3A_60 = arith.constant 176 : index
    %get3A_61 = tpu.vector_load %arg22[%get3A_60] {strides = array<i32>} : memref<224xf32, #tpu.memory_space<vmem>>, vector<16xf32>,
    %get3A_62 = arith.constant 192 : index
    %get3A_63 = tpu.vector_load %arg22[%get3A_62] {strides = array<i32>} : memref<224xf32, #tpu.memory_space<vmem>>, vector<16xf32>,
    %get3A_64 = arith.constant 208 : index
    %get3A_65 = tpu.vector_load %arg22[%get3A_64] {strides = array<i32>} : memref<224xf32, #tpu.memory_space<vmem>>, vector<16xf32>,
    %barrier3A = arith.constant 0 : index
    tpu.barrier barrier_id(%barrier3A)
    %mul3A_66 = arith.constant 131072 : i32
    %mul3A_67 = arith.muli %add3A, %mul3A_66 : i32
    %add3A_68 = arith.constant 0 : i32
    %add3A_69 = arith.addi %mul3A_67, %add3A_68 : i32
    %dma_start3A = tpu.memref_slice %arg2[%add3A_69] : memref<4194304xf32, #tpu.memory_space<hbm>> -> memref<4096xf32, #tpu.memory_space<hbm>>
    %dma_start3A_70 = tpu.memref_slice %arg2[%add3A_69] : memref<4194304xf32, #tpu.memory_space<hbm>> -> memref<4096xf32, #tpu.memory_space<hbm>>
    tpu.enqueue_dma source(%dma_start3A_70 : memref<4096xf32, #tpu.memory_space<hbm>>) target(%arg11 : memref<4096xf32, #tpu.memory_space<vmem>>) target_semaphore(%arg25 : memref<!tpu.dma_semaphore, #tpu.memory_space<semaphore_mem>>)
    %dma_start3A_71 = tpu.memref_slice %arg3[%add3A_69] : memref<4194304xf32, #tpu.memory_space<hbm>> -> memref<4096xf32, #tpu.memory_space<hbm>>
    %dma_start3A_72 = tpu.memref_slice %arg3[%add3A_69] : memref<4194304xf32, #tpu.memory_space<hbm>> -> memref<4096xf32, #tpu.memory_space<hbm>>
    tpu.enqueue_dma source(%dma_start3A_72 : memref<4096xf32, #tpu.memory_space<hbm>>) target(%arg12 : memref<4096xf32, #tpu.memory_space<vmem>>) target_semaphore(%arg25 : memref<!tpu.dma_semaphore, #tpu.memory_space<semaphore_mem>>)
    %dma_start3A_73 = tpu.memref_slice %arg4[%add3A_69] : memref<4194304xf32, #tpu.memory_space<hbm>> -> memref<4096xf32, #tpu.memory_space<hbm>>
    %dma_start3A_74 = tpu.memref_slice %arg4[%add3A_69] : memref<4194304xf32, #tpu.memory_space<hbm>> -> memref<4096xf32, #tpu.memory_space<hbm>>
    tpu.enqueue_dma source(%dma_start3A_74 : memref<4096xf32, #tpu.memory_space<hbm>>) target(%arg13 : memref<4096xf32, #tpu.memory_space<vmem>>) target_semaphore(%arg25 : memref<!tpu.dma_semaphore, #tpu.memory_space<semaphore_mem>>)
    %dma_start3A_75 = tpu.memref_slice %arg5[%add3A_69] : memref<4194304xf32, #tpu.memory_space<hbm>> -> memref<4096xf32, #tpu.memory_space<hbm>>
    %dma_start3A_76 = tpu.memref_slice %arg5[%add3A_69] : memref<4194304xf32, #tpu.memory_space<hbm>> -> memref<4096xf32, #tpu.memory_space<hbm>>
    tpu.enqueue_dma source(%dma_start3A_76 : memref<4096xf32, #tpu.memory_space<hbm>>) target(%arg14 : memref<4096xf32, #tpu.memory_space<vmem>>) target_semaphore(%arg25 : memref<!tpu.dma_semaphore, #tpu.memory_space<semaphore_mem>>)
    %dma_start3A_77 = tpu.memref_slice %arg6[%add3A_69] : memref<4194304xf32, #tpu.memory_space<hbm>> -> memref<4096xf32, #tpu.memory_space<hbm>>
    %dma_start3A_78 = tpu.memref_slice %arg6[%add3A_69] : memref<4194304xf32, #tpu.memory_space<hbm>> -> memref<4096xf32, #tpu.memory_space<hbm>>
    tpu.enqueue_dma source(%dma_start3A_78 : memref<4096xf32, #tpu.memory_space<hbm>>) target(%arg15 : memref<4096xf32, #tpu.memory_space<vmem>>) target_semaphore(%arg25 : memref<!tpu.dma_semaphore, #tpu.memory_space<semaphore_mem>>)
    %dma_start3A_79 = tpu.memref_slice %arg7[%add3A_69] : memref<4194304xf32, #tpu.memory_space<hbm>> -> memref<4096xf32, #tpu.memory_space<hbm>>
    %dma_start3A_80 = tpu.memref_slice %arg7[%add3A_69] : memref<4194304xf32, #tpu.memory_space<hbm>> -> memref<4096xf32, #tpu.memory_space<hbm>>
    tpu.enqueue_dma source(%dma_start3A_80 : memref<4096xf32, #tpu.memory_space<hbm>>) target(%arg16 : memref<4096xf32, #tpu.memory_space<vmem>>) target_semaphore(%arg25 : memref<!tpu.dma_semaphore, #tpu.memory_space<semaphore_mem>>)
    %dma_start3A_81 = tpu.memref_slice %arg8[%add3A_69] : memref<4194304xf32, #tpu.memory_space<hbm>> -> memref<4096xf32, #tpu.memory_space<hbm>>
    %dma_start3A_82 = tpu.memref_slice %arg8[%add3A_69] : memref<4194304xf32, #tpu.memory_space<hbm>> -> memref<4096xf32, #tpu.memory_space<hbm>>
    tpu.enqueue_dma source(%dma_start3A_82 : memref<4096xf32, #tpu.memory_space<hbm>>) target(%arg17 : memref<4096xf32, #tpu.memory_space<vmem>>) target_semaphore(%arg25 : memref<!tpu.dma_semaphore, #tpu.memory_space<semaphore_mem>>)
    %scan3A_83 = arith.constant 0 : i32
    %scan3A_84 = arith.constant 0 : i32
    %scan3A_85 = arith.constant 32 : i32
    %scan3A_86 = arith.addi %scan3A_84, %scan3A_85 : i32
    %scan3A_87 = arith.constant 1 : i32
    scf.for %scan3A_94 = %scan3A_84 to %scan3A_86 step %scan3A_87  : i32 {
      %mul3A_95 = arith.constant 131072 : i32
      %mul3A_96 = arith.muli %add3A, %mul3A_95 : i32
      %mul3A_97 = arith.constant 4096 : i32
      %mul3A_98 = arith.muli %scan3A_94, %mul3A_97 : i32
      %add3A_99 = arith.addi %mul3A_96, %mul3A_98 : i32
      %dma_wait3A = tpu.memref_slice %arg2[%add3A_99] : memref<4194304xf32, #tpu.memory_space<hbm>> -> memref<4096xf32, #tpu.memory_space<hbm>>
      %dma_wait3A_100 = tpu.memref_slice %arg2[%add3A_99] : memref<4194304xf32, #tpu.memory_space<hbm>> -> memref<4096xf32, #tpu.memory_space<hbm>>
      tpu.wait_dma2 semaphore(%arg25 : memref<!tpu.dma_semaphore, #tpu.memory_space<semaphore_mem>>) src(%dma_wait3A_100 : memref<4096xf32, #tpu.memory_space<hbm>>) dst(%arg11 : memref<4096xf32, #tpu.memory_space<vmem>>)
      %dma_wait3A_101 = tpu.memref_slice %arg3[%add3A_99] : memref<4194304xf32, #tpu.memory_space<hbm>> -> memref<4096xf32, #tpu.memory_space<hbm>>
      %dma_wait3A_102 = tpu.memref_slice %arg3[%add3A_99] : memref<4194304xf32, #tpu.memory_space<hbm>> -> memref<4096xf32, #tpu.memory_space<hbm>>
      tpu.wait_dma2 semaphore(%arg25 : memref<!tpu.dma_semaphore, #tpu.memory_space<semaphore_mem>>) src(%dma_wait3A_102 : memref<4096xf32, #tpu.memory_space<hbm>>) dst(%arg12 : memref<4096xf32, #tpu.memory_space<vmem>>)
      %dma_wait3A_103 = tpu.memref_slice %arg4[%add3A_99] : memref<4194304xf32, #tpu.memory_space<hbm>> -> memref<4096xf32, #tpu.memory_space<hbm>>
      %dma_wait3A_104 = tpu.memref_slice %arg4[%add3A_99] : memref<4194304xf32, #tpu.memory_space<hbm>> -> memref<4096xf32, #tpu.memory_space<hbm>>
      tpu.wait_dma2 semaphore(%arg25 : memref<!tpu.dma_semaphore, #tpu.memory_space<semaphore_mem>>) src(%dma_wait3A_104 : memref<4096xf32, #tpu.memory_space<hbm>>) dst(%arg13 : memref<4096xf32, #tpu.memory_space<vmem>>)
      %dma_wait3A_105 = tpu.memref_slice %arg5[%add3A_99] : memref<4194304xf32, #tpu.memory_space<hbm>> -> memref<4096xf32, #tpu.memory_space<hbm>>
      %dma_wait3A_106 = tpu.memref_slice %arg5[%add3A_99] : memref<4194304xf32, #tpu.memory_space<hbm>> -> memref<4096xf32, #tpu.memory_space<hbm>>
      tpu.wait_dma2 semaphore(%arg25 : memref<!tpu.dma_semaphore, #tpu.memory_space<semaphore_mem>>) src(%dma_wait3A_106 : memref<4096xf32, #tpu.memory_space<hbm>>) dst(%arg14 : memref<4096xf32, #tpu.memory_space<vmem>>)
      %dma_wait3A_107 = tpu.memref_slice %arg6[%add3A_99] : memref<4194304xf32, #tpu.memory_space<hbm>> -> memref<4096xf32, #tpu.memory_space<hbm>>
      %dma_wait3A_108 = tpu.memref_slice %arg6[%add3A_99] : memref<4194304xf32, #tpu.memory_space<hbm>> -> memref<4096xf32, #tpu.memory_space<hbm>>
      tpu.wait_dma2 semaphore(%arg25 : memref<!tpu.dma_semaphore, #tpu.memory_space<semaphore_mem>>) src(%dma_wait3A_108 : memref<4096xf32, #tpu.memory_space<hbm>>) dst(%arg15 : memref<4096xf32, #tpu.memory_space<vmem>>)
      %dma_wait3A_109 = tpu.memref_slice %arg7[%add3A_99] : memref<4194304xf32, #tpu.memory_space<hbm>> -> memref<4096xf32, #tpu.memory_space<hbm>>
      %dma_wait3A_110 = tpu.memref_slice %arg7[%add3A_99] : memref<4194304xf32, #tpu.memory_space<hbm>> -> memref<4096xf32, #tpu.memory_space<hbm>>
      tpu.wait_dma2 semaphore(%arg25 : memref<!tpu.dma_semaphore, #tpu.memory_space<semaphore_mem>>) src(%dma_wait3A_110 : memref<4096xf32, #tpu.memory_space<hbm>>) dst(%arg16 : memref<4096xf32, #tpu.memory_space<vmem>>)
      %dma_wait3A_111 = tpu.memref_slice %arg8[%add3A_99] : memref<4194304xf32, #tpu.memory_space<hbm>> -> memref<4096xf32, #tpu.memory_space<hbm>>
      %dma_wait3A_112 = tpu.memref_slice %arg8[%add3A_99] : memref<4194304xf32, #tpu.memory_space<hbm>> -> memref<4096xf32, #tpu.memory_space<hbm>>
      tpu.wait_dma2 semaphore(%arg25 : memref<!tpu.dma_semaphore, #tpu.memory_space<semaphore_mem>>) src(%dma_wait3A_112 : memref<4096xf32, #tpu.memory_space<hbm>>) dst(%arg17 : memref<4096xf32, #tpu.memory_space<vmem>>)
      %swap3A = arith.constant 0 : index
      %swap3A_113 = tpu.vector_load %arg21[%swap3A] {strides = array<i32>} : memref<272xf32, #tpu.memory_space<vmem>>, vector<16xf32>,
      tpu.vector_store %arg21[%swap3A], %broadcast_in_dim3A_1 {strides = array<i32>} : memref<272xf32, #tpu.memory_space<vmem>>, vector<16xf32>,
      %broadcast_in_dim3A_114 = arith.constant 0 : i32
      %broadcast_in_dim3A_115 = vector.broadcast %broadcast_in_dim3A_114 : i32 to vector<16xi32>
      %swap3A_116 = arith.constant 0 : index
      %swap3A_117 = tpu.vector_load %arg20[%swap3A_116] {strides = array<i32>} : memref<272xi32, #tpu.memory_space<vmem>>, vector<16xi32>,
      tpu.vector_store %arg20[%swap3A_116], %broadcast_in_dim3A_115 {strides = array<i32>} : memref<272xi32, #tpu.memory_space<vmem>>, vector<16xi32>,
      %swap3A_118 = arith.constant 16 : index
      %swap3A_119 = tpu.vector_load %arg21[%swap3A_118] {strides = array<i32>} : memref<272xf32, #tpu.memory_space<vmem>>, vector<16xf32>,
      tpu.vector_store %arg21[%swap3A_118], %broadcast_in_dim3A_1 {strides = array<i32>} : memref<272xf32, #tpu.memory_space<vmem>>, vector<16xf32>,
      %broadcast_in_dim3A_120 = arith.constant 0 : i32
      %broadcast_in_dim3A_121 = vector.broadcast %broadcast_in_dim3A_120 : i32 to vector<16xi32>
      %swap3A_122 = arith.constant 16 : index
      %swap3A_123 = tpu.vector_load %arg20[%swap3A_122] {strides = array<i32>} : memref<272xi32, #tpu.memory_space<vmem>>, vector<16xi32>,
      tpu.vector_store %arg20[%swap3A_122], %broadcast_in_dim3A_121 {strides = array<i32>} : memref<272xi32, #tpu.memory_space<vmem>>, vector<16xi32>,
      %swap3A_124 = arith.constant 32 : index
      %swap3A_125 = tpu.vector_load %arg21[%swap3A_124] {strides = array<i32>} : memref<272xf32, #tpu.memory_space<vmem>>, vector<16xf32>,
      tpu.vector_store %arg21[%swap3A_124], %broadcast_in_dim3A_1 {strides = array<i32>} : memref<272xf32, #tpu.memory_space<vmem>>, vector<16xf32>,
      %broadcast_in_dim3A_126 = arith.constant 0 : i32
      %broadcast_in_dim3A_127 = vector.broadcast %broadcast_in_dim3A_126 : i32 to vector<16xi32>
      %swap3A_128 = arith.constant 32 : index
      %swap3A_129 = tpu.vector_load %arg20[%swap3A_128] {strides = array<i32>} : memref<272xi32, #tpu.memory_space<vmem>>, vector<16xi32>,
      tpu.vector_store %arg20[%swap3A_128], %broadcast_in_dim3A_127 {strides = array<i32>} : memref<272xi32, #tpu.memory_space<vmem>>, vector<16xi32>,
      %swap3A_130 = arith.constant 48 : index
      %swap3A_131 = tpu.vector_load %arg21[%swap3A_130] {strides = array<i32>} : memref<272xf32, #tpu.memory_space<vmem>>, vector<16xf32>,
      tpu.vector_store %arg21[%swap3A_130], %broadcast_in_dim3A_1 {strides = array<i32>} : memref<272xf32, #tpu.memory_space<vmem>>, vector<16xf32>,
      %broadcast_in_dim3A_132 = arith.constant 0 : i32
      %broadcast_in_dim3A_133 = vector.broadcast %broadcast_in_dim3A_132 : i32 to vector<16xi32>
      %swap3A_134 = arith.constant 48 : index
      %swap3A_135 = tpu.vector_load %arg20[%swap3A_134] {strides = array<i32>} : memref<272xi32, #tpu.memory_space<vmem>>, vector<16xi32>,
      tpu.vector_store %arg20[%swap3A_134], %broadcast_in_dim3A_133 {strides = array<i32>} : memref<272xi32, #tpu.memory_space<vmem>>, vector<16xi32>,
      %swap3A_136 = arith.constant 64 : index
      %swap3A_137 = tpu.vector_load %arg21[%swap3A_136] {strides = array<i32>} : memref<272xf32, #tpu.memory_space<vmem>>, vector<16xf32>,
      tpu.vector_store %arg21[%swap3A_136], %broadcast_in_dim3A_1 {strides = array<i32>} : memref<272xf32, #tpu.memory_space<vmem>>, vector<16xf32>,
      %broadcast_in_dim3A_138 = arith.constant 0 : i32
      %broadcast_in_dim3A_139 = vector.broadcast %broadcast_in_dim3A_138 : i32 to vector<16xi32>
      %swap3A_140 = arith.constant 64 : index
      %swap3A_141 = tpu.vector_load %arg20[%swap3A_140] {strides = array<i32>} : memref<272xi32, #tpu.memory_space<vmem>>, vector<16xi32>,
      tpu.vector_store %arg20[%swap3A_140], %broadcast_in_dim3A_139 {strides = array<i32>} : memref<272xi32, #tpu.memory_space<vmem>>, vector<16xi32>,
      %swap3A_142 = arith.constant 80 : index
      %swap3A_143 = tpu.vector_load %arg21[%swap3A_142] {strides = array<i32>} : memref<272xf32, #tpu.memory_space<vmem>>, vector<16xf32>,
      tpu.vector_store %arg21[%swap3A_142], %broadcast_in_dim3A_1 {strides = array<i32>} : memref<272xf32, #tpu.memory_space<vmem>>, vector<16xf32>,
      %broadcast_in_dim3A_144 = arith.constant 0 : i32
      %broadcast_in_dim3A_145 = vector.broadcast %broadcast_in_dim3A_144 : i32 to vector<16xi32>
      %swap3A_146 = arith.constant 80 : index
      %swap3A_147 = tpu.vector_load %arg20[%swap3A_146] {strides = array<i32>} : memref<272xi32, #tpu.memory_space<vmem>>, vector<16xi32>,
      tpu.vector_store %arg20[%swap3A_146], %broadcast_in_dim3A_145 {strides = array<i32>} : memref<272xi32, #tpu.memory_space<vmem>>, vector<16xi32>,
      %swap3A_148 = arith.constant 96 : index
      %swap3A_149 = tpu.vector_load %arg21[%swap3A_148] {strides = array<i32>} : memref<272xf32, #tpu.memory_space<vmem>>, vector<16xf32>,
      tpu.vector_store %arg21[%swap3A_148], %broadcast_in_dim3A_1 {strides = array<i32>} : memref<272xf32, #tpu.memory_space<vmem>>, vector<16xf32>,
      %broadcast_in_dim3A_150 = arith.constant 0 : i32
      %broadcast_in_dim3A_151 = vector.broadcast %broadcast_in_dim3A_150 : i32 to vector<16xi32>
      %swap3A_152 = arith.constant 96 : index
      %swap3A_153 = tpu.vector_load %arg20[%swap3A_152] {strides = array<i32>} : memref<272xi32, #tpu.memory_space<vmem>>, vector<16xi32>,
      tpu.vector_store %arg20[%swap3A_152], %broadcast_in_dim3A_151 {strides = array<i32>} : memref<272xi32, #tpu.memory_space<vmem>>, vector<16xi32>,
      %swap3A_154 = arith.constant 112 : index
      %swap3A_155 = tpu.vector_load %arg21[%swap3A_154] {strides = array<i32>} : memref<272xf32, #tpu.memory_space<vmem>>, vector<16xf32>,
      tpu.vector_store %arg21[%swap3A_154], %broadcast_in_dim3A_1 {strides = array<i32>} : memref<272xf32, #tpu.memory_space<vmem>>, vector<16xf32>,
      %broadcast_in_dim3A_156 = arith.constant 0 : i32
      %broadcast_in_dim3A_157 = vector.broadcast %broadcast_in_dim3A_156 : i32 to vector<16xi32>
      %swap3A_158 = arith.constant 112 : index
      %swap3A_159 = tpu.vector_load %arg20[%swap3A_158] {strides = array<i32>} : memref<272xi32, #tpu.memory_space<vmem>>, vector<16xi32>,
      tpu.vector_store %arg20[%swap3A_158], %broadcast_in_dim3A_157 {strides = array<i32>} : memref<272xi32, #tpu.memory_space<vmem>>, vector<16xi32>,
      %swap3A_160 = arith.constant 128 : index
      %swap3A_161 = tpu.vector_load %arg21[%swap3A_160] {strides = array<i32>} : memref<272xf32, #tpu.memory_space<vmem>>, vector<16xf32>,
      tpu.vector_store %arg21[%swap3A_160], %broadcast_in_dim3A_1 {strides = array<i32>} : memref<272xf32, #tpu.memory_space<vmem>>, vector<16xf32>,
      %broadcast_in_dim3A_162 = arith.constant 0 : i32
      %broadcast_in_dim3A_163 = vector.broadcast %broadcast_in_dim3A_162 : i32 to vector<16xi32>
      %swap3A_164 = arith.constant 128 : index
      %swap3A_165 = tpu.vector_load %arg20[%swap3A_164] {strides = array<i32>} : memref<272xi32, #tpu.memory_space<vmem>>, vector<16xi32>,
      tpu.vector_store %arg20[%swap3A_164], %broadcast_in_dim3A_163 {strides = array<i32>} : memref<272xi32, #tpu.memory_space<vmem>>, vector<16xi32>,
      %swap3A_166 = arith.constant 144 : index
      %swap3A_167 = tpu.vector_load %arg21[%swap3A_166] {strides = array<i32>} : memref<272xf32, #tpu.memory_space<vmem>>, vector<16xf32>,
      tpu.vector_store %arg21[%swap3A_166], %broadcast_in_dim3A_1 {strides = array<i32>} : memref<272xf32, #tpu.memory_space<vmem>>, vector<16xf32>,
      %broadcast_in_dim3A_168 = arith.constant 0 : i32
      %broadcast_in_dim3A_169 = vector.broadcast %broadcast_in_dim3A_168 : i32 to vector<16xi32>
      %swap3A_170 = arith.constant 144 : index
      %swap3A_171 = tpu.vector_load %arg20[%swap3A_170] {strides = array<i32>} : memref<272xi32, #tpu.memory_space<vmem>>, vector<16xi32>,
      tpu.vector_store %arg20[%swap3A_170], %broadcast_in_dim3A_169 {strides = array<i32>} : memref<272xi32, #tpu.memory_space<vmem>>, vector<16xi32>,
      %swap3A_172 = arith.constant 160 : index
      %swap3A_173 = tpu.vector_load %arg21[%swap3A_172] {strides = array<i32>} : memref<272xf32, #tpu.memory_space<vmem>>, vector<16xf32>,
      tpu.vector_store %arg21[%swap3A_172], %broadcast_in_dim3A_1 {strides = array<i32>} : memref<272xf32, #tpu.memory_space<vmem>>, vector<16xf32>,
      %broadcast_in_dim3A_174 = arith.constant 0 : i32
      %broadcast_in_dim3A_175 = vector.broadcast %broadcast_in_dim3A_174 : i32 to vector<16xi32>
      %swap3A_176 = arith.constant 160 : index
      %swap3A_177 = tpu.vector_load %arg20[%swap3A_176] {strides = array<i32>} : memref<272xi32, #tpu.memory_space<vmem>>, vector<16xi32>,
      tpu.vector_store %arg20[%swap3A_176], %broadcast_in_dim3A_175 {strides = array<i32>} : memref<272xi32, #tpu.memory_space<vmem>>, vector<16xi32>,
      %swap3A_178 = arith.constant 176 : index
      %swap3A_179 = tpu.vector_load %arg21[%swap3A_178] {strides = array<i32>} : memref<272xf32, #tpu.memory_space<vmem>>, vector<16xf32>,
      tpu.vector_store %arg21[%swap3A_178], %broadcast_in_dim3A_1 {strides = array<i32>} : memref<272xf32, #tpu.memory_space<vmem>>, vector<16xf32>,
      %broadcast_in_dim3A_180 = arith.constant 0 : i32
      %broadcast_in_dim3A_181 = vector.broadcast %broadcast_in_dim3A_180 : i32 to vector<16xi32>
      %swap3A_182 = arith.constant 176 : index
      %swap3A_183 = tpu.vector_load %arg20[%swap3A_182] {strides = array<i32>} : memref<272xi32, #tpu.memory_space<vmem>>, vector<16xi32>,
      tpu.vector_store %arg20[%swap3A_182], %broadcast_in_dim3A_181 {strides = array<i32>} : memref<272xi32, #tpu.memory_space<vmem>>, vector<16xi32>,
      %swap3A_184 = arith.constant 192 : index
      %swap3A_185 = tpu.vector_load %arg21[%swap3A_184] {strides = array<i32>} : memref<272xf32, #tpu.memory_space<vmem>>, vector<16xf32>,
      tpu.vector_store %arg21[%swap3A_184], %broadcast_in_dim3A_1 {strides = array<i32>} : memref<272xf32, #tpu.memory_space<vmem>>, vector<16xf32>,
      %broadcast_in_dim3A_186 = arith.constant 0 : i32
      %broadcast_in_dim3A_187 = vector.broadcast %broadcast_in_dim3A_186 : i32 to vector<16xi32>
      %swap3A_188 = arith.constant 192 : index
      %swap3A_189 = tpu.vector_load %arg20[%swap3A_188] {strides = array<i32>} : memref<272xi32, #tpu.memory_space<vmem>>, vector<16xi32>,
      tpu.vector_store %arg20[%swap3A_188], %broadcast_in_dim3A_187 {strides = array<i32>} : memref<272xi32, #tpu.memory_space<vmem>>, vector<16xi32>,
      %swap3A_190 = arith.constant 208 : index
      %swap3A_191 = tpu.vector_load %arg21[%swap3A_190] {strides = array<i32>} : memref<272xf32, #tpu.memory_space<vmem>>, vector<16xf32>,
      tpu.vector_store %arg21[%swap3A_190], %broadcast_in_dim3A_1 {strides = array<i32>} : memref<272xf32, #tpu.memory_space<vmem>>, vector<16xf32>,
      %broadcast_in_dim3A_192 = arith.constant 0 : i32
      %broadcast_in_dim3A_193 = vector.broadcast %broadcast_in_dim3A_192 : i32 to vector<16xi32>
      %swap3A_194 = arith.constant 208 : index
      %swap3A_195 = tpu.vector_load %arg20[%swap3A_194] {strides = array<i32>} : memref<272xi32, #tpu.memory_space<vmem>>, vector<16xi32>,
      tpu.vector_store %arg20[%swap3A_194], %broadcast_in_dim3A_193 {strides = array<i32>} : memref<272xi32, #tpu.memory_space<vmem>>, vector<16xi32>,
      %swap3A_196 = arith.constant 224 : index
      %swap3A_197 = tpu.vector_load %arg21[%swap3A_196] {strides = array<i32>} : memref<272xf32, #tpu.memory_space<vmem>>, vector<16xf32>,
      tpu.vector_store %arg21[%swap3A_196], %broadcast_in_dim3A_1 {strides = array<i32>} : memref<272xf32, #tpu.memory_space<vmem>>, vector<16xf32>,
      %broadcast_in_dim3A_198 = arith.constant 0 : i32
      %broadcast_in_dim3A_199 = vector.broadcast %broadcast_in_dim3A_198 : i32 to vector<16xi32>
      %swap3A_200 = arith.constant 224 : index
      %swap3A_201 = tpu.vector_load %arg20[%swap3A_200] {strides = array<i32>} : memref<272xi32, #tpu.memory_space<vmem>>, vector<16xi32>,
      tpu.vector_store %arg20[%swap3A_200], %broadcast_in_dim3A_199 {strides = array<i32>} : memref<272xi32, #tpu.memory_space<vmem>>, vector<16xi32>,
      %swap3A_202 = arith.constant 240 : index
      %swap3A_203 = tpu.vector_load %arg21[%swap3A_202] {strides = array<i32>} : memref<272xf32, #tpu.memory_space<vmem>>, vector<16xf32>,
      tpu.vector_store %arg21[%swap3A_202], %broadcast_in_dim3A_1 {strides = array<i32>} : memref<272xf32, #tpu.memory_space<vmem>>, vector<16xf32>,
      %broadcast_in_dim3A_204 = arith.constant 0 : i32
      %broadcast_in_dim3A_205 = vector.broadcast %broadcast_in_dim3A_204 : i32 to vector<16xi32>
      %swap3A_206 = arith.constant 240 : index
      %swap3A_207 = tpu.vector_load %arg20[%swap3A_206] {strides = array<i32>} : memref<272xi32, #tpu.memory_space<vmem>>, vector<16xi32>,
      tpu.vector_store %arg20[%swap3A_206], %broadcast_in_dim3A_205 {strides = array<i32>} : memref<272xi32, #tpu.memory_space<vmem>>, vector<16xi32>,
      %swap3A_208 = arith.constant 256 : index
      %swap3A_209 = tpu.vector_load %arg21[%swap3A_208] {strides = array<i32>} : memref<272xf32, #tpu.memory_space<vmem>>, vector<16xf32>,
      tpu.vector_store %arg21[%swap3A_208], %broadcast_in_dim3A_1 {strides = array<i32>} : memref<272xf32, #tpu.memory_space<vmem>>, vector<16xf32>,
      %broadcast_in_dim3A_210 = arith.constant 0 : i32
      %broadcast_in_dim3A_211 = vector.broadcast %broadcast_in_dim3A_210 : i32 to vector<16xi32>
      %swap3A_212 = arith.constant 256 : index
      %swap3A_213 = tpu.vector_load %arg20[%swap3A_212] {strides = array<i32>} : memref<272xi32, #tpu.memory_space<vmem>>, vector<16xi32>,
      tpu.vector_store %arg20[%swap3A_212], %broadcast_in_dim3A_211 {strides = array<i32>} : memref<272xi32, #tpu.memory_space<vmem>>, vector<16xi32>,
      %parallel_loop3A = arith.constant 0 : i32
      %parallel_loop3A_214 = arith.constant 256 : i32
      %parallel_loop3A_215 = arith.constant 1 : i32
      %parallel_loop3A_216 = arith.constant 0 : i32
      %parallel_loop3A_217 = scf.for %parallel_loop3A_228 = %parallel_loop3A to %parallel_loop3A_214 step %parallel_loop3A_215 iter_args(%parallel_loop3A_229 = %parallel_loop3A_216) -> (i32)  : i32 {
        %parallel_loop3A_230 = arith.constant 16 : i32
        %parallel_loop3A_231 = arith.muli %parallel_loop3A_228, %parallel_loop3A_230 : i32
        %parallel_loop3A_232 = arith.index_cast %parallel_loop3A_231 : i32 to index
        %parallel_loop3A_233 = tpu.vector_load %arg11[%parallel_loop3A_232] {strides = array<i32>} : memref<4096xf32, #tpu.memory_space<vmem>>, vector<16xf32>,
        %parallel_loop3A_234 = arith.index_cast %parallel_loop3A_231 : i32 to index
        %parallel_loop3A_235 = tpu.vector_load %arg12[%parallel_loop3A_234] {strides = array<i32>} : memref<4096xf32, #tpu.memory_space<vmem>>, vector<16xf32>,
        %parallel_loop3A_236 = arith.index_cast %parallel_loop3A_231 : i32 to index
        %parallel_loop3A_237 = tpu.vector_load %arg13[%parallel_loop3A_236] {strides = array<i32>} : memref<4096xf32, #tpu.memory_space<vmem>>, vector<16xf32>,
        %parallel_loop3A_238 = arith.index_cast %parallel_loop3A_231 : i32 to index
        %parallel_loop3A_239 = tpu.vector_load %arg14[%parallel_loop3A_238] {strides = array<i32>} : memref<4096xf32, #tpu.memory_space<vmem>>, vector<16xf32>,
        %parallel_loop3A_240 = arith.index_cast %parallel_loop3A_231 : i32 to index
        %parallel_loop3A_241 = tpu.vector_load %arg15[%parallel_loop3A_240] {strides = array<i32>} : memref<4096xf32, #tpu.memory_space<vmem>>, vector<16xf32>,
        %parallel_loop3A_242 = arith.index_cast %parallel_loop3A_231 : i32 to index
        %parallel_loop3A_243 = tpu.vector_load %arg16[%parallel_loop3A_242] {strides = array<i32>} : memref<4096xf32, #tpu.memory_space<vmem>>, vector<16xf32>,
        %parallel_loop3A_244 = arith.index_cast %parallel_loop3A_231 : i32 to index
        %parallel_loop3A_245 = tpu.vector_load %arg17[%parallel_loop3A_244] {strides = array<i32>} : memref<4096xf32, #tpu.memory_space<vmem>>, vector<16xf32>,
        %parallel_loop3A_246 = arith.mulf %get3A_39, %parallel_loop3A_233 : vector<16xf32>
        %parallel_loop3A_247 = arith.mulf %get3A_41, %parallel_loop3A_235 : vector<16xf32>
        %parallel_loop3A_248 = arith.addf %parallel_loop3A_246, %parallel_loop3A_247 : vector<16xf32>
        %parallel_loop3A_249 = arith.mulf %get3A_43, %parallel_loop3A_237 : vector<16xf32>
        %parallel_loop3A_250 = arith.addf %parallel_loop3A_248, %parallel_loop3A_249 : vector<16xf32>
        %parallel_loop3A_251 = arith.mulf %get3A_45, %parallel_loop3A_233 : vector<16xf32>
        %parallel_loop3A_252 = arith.mulf %get3A_47, %parallel_loop3A_235 : vector<16xf32>
        %parallel_loop3A_253 = arith.addf %parallel_loop3A_251, %parallel_loop3A_252 : vector<16xf32>
        %parallel_loop3A_254 = arith.mulf %get3A_49, %parallel_loop3A_237 : vector<16xf32>
        %parallel_loop3A_255 = arith.addf %parallel_loop3A_253, %parallel_loop3A_254 : vector<16xf32>
        %parallel_loop3A_256 = arith.mulf %get3A_51, %parallel_loop3A_233 : vector<16xf32>
        %parallel_loop3A_257 = arith.mulf %get3A_53, %parallel_loop3A_235 : vector<16xf32>
        %parallel_loop3A_258 = arith.addf %parallel_loop3A_256, %parallel_loop3A_257 : vector<16xf32>
        %parallel_loop3A_259 = arith.mulf %get3A_55, %parallel_loop3A_237 : vector<16xf32>
        %parallel_loop3A_260 = arith.addf %parallel_loop3A_258, %parallel_loop3A_259 : vector<16xf32>
        %parallel_loop3A_261 = arith.constant 5.000000e+02 : f32
        %parallel_loop3A_262 = vector.broadcast %parallel_loop3A_261 : f32 to vector<16xf32>
        %parallel_loop3A_263 = arith.addf %parallel_loop3A_260, %parallel_loop3A_262 : vector<16xf32>
        %parallel_loop3A_264 = arith.mulf %get3A_39, %parallel_loop3A_239 : vector<16xf32>
        %parallel_loop3A_265 = arith.mulf %get3A_41, %parallel_loop3A_241 : vector<16xf32>
        %parallel_loop3A_266 = arith.addf %parallel_loop3A_264, %parallel_loop3A_265 : vector<16xf32>
        %parallel_loop3A_267 = arith.mulf %get3A_43, %parallel_loop3A_243 : vector<16xf32>
        %parallel_loop3A_268 = arith.addf %parallel_loop3A_266, %parallel_loop3A_267 : vector<16xf32>
        %parallel_loop3A_269 = arith.mulf %get3A_45, %parallel_loop3A_239 : vector<16xf32>
        %parallel_loop3A_270 = arith.mulf %get3A_47, %parallel_loop3A_241 : vector<16xf32>
        %parallel_loop3A_271 = arith.addf %parallel_loop3A_269, %parallel_loop3A_270 : vector<16xf32>
        %parallel_loop3A_272 = arith.mulf %get3A_49, %parallel_loop3A_243 : vector<16xf32>
        %parallel_loop3A_273 = arith.addf %parallel_loop3A_271, %parallel_loop3A_272 : vector<16xf32>
        %parallel_loop3A_274 = arith.mulf %get3A_51, %parallel_loop3A_239 : vector<16xf32>
        %parallel_loop3A_275 = arith.mulf %get3A_53, %parallel_loop3A_241 : vector<16xf32>
        %parallel_loop3A_276 = arith.addf %parallel_loop3A_274, %parallel_loop3A_275 : vector<16xf32>
        %parallel_loop3A_277 = arith.mulf %get3A_55, %parallel_loop3A_243 : vector<16xf32>
        %parallel_loop3A_278 = arith.addf %parallel_loop3A_276, %parallel_loop3A_277 : vector<16xf32>
        %parallel_loop3A_279 = arith.mulf %parallel_loop3A_250, %parallel_loop3A_250 : vector<16xf32>
        %parallel_loop3A_280 = arith.mulf %parallel_loop3A_255, %parallel_loop3A_255 : vector<16xf32>
        %parallel_loop3A_281 = arith.addf %parallel_loop3A_279, %parallel_loop3A_280 : vector<16xf32>
        %parallel_loop3A_282 = arith.mulf %parallel_loop3A_263, %parallel_loop3A_263 : vector<16xf32>
        %parallel_loop3A_283 = arith.addf %parallel_loop3A_281, %parallel_loop3A_282 : vector<16xf32>
        %parallel_loop3A_284 = arith.constant 9.99999996E-13 : f32
        %parallel_loop3A_285 = vector.broadcast %parallel_loop3A_284 : f32 to vector<16xf32>
        %parallel_loop3A_286 = arith.maximumf %parallel_loop3A_283, %parallel_loop3A_285 : vector<16xf32>
        %parallel_loop3A_287 = tpu.bitcast %parallel_loop3A_286 : vector<16xf32> -> vector<16xi32>
        %parallel_loop3A_288 = arith.constant 1 : i32
        %parallel_loop3A_289 = vector.broadcast %parallel_loop3A_288 : i32 to vector<16xi32>
        %parallel_loop3A_290 = arith.shrui %parallel_loop3A_287, %parallel_loop3A_289 : vector<16xi32>
        %parallel_loop3A_291 = arith.constant 1597463007 : i32
        %parallel_loop3A_292 = vector.broadcast %parallel_loop3A_291 : i32 to vector<16xi32>
        %parallel_loop3A_293 = arith.subi %parallel_loop3A_292, %parallel_loop3A_290 : vector<16xi32>
        %parallel_loop3A_294 = tpu.bitcast %parallel_loop3A_293 : vector<16xi32> -> vector<16xf32>
        %parallel_loop3A_295 = arith.constant 5.000000e-01 : f32
        %parallel_loop3A_296 = vector.broadcast %parallel_loop3A_295 : f32 to vector<16xf32>
        %parallel_loop3A_297 = arith.mulf %parallel_loop3A_296, %parallel_loop3A_286 : vector<16xf32>
        %parallel_loop3A_298 = arith.mulf %parallel_loop3A_297, %parallel_loop3A_294 : vector<16xf32>
        %parallel_loop3A_299 = arith.mulf %parallel_loop3A_298, %parallel_loop3A_294 : vector<16xf32>
        %parallel_loop3A_300 = arith.constant 1.500000e+00 : f32
        %parallel_loop3A_301 = vector.broadcast %parallel_loop3A_300 : f32 to vector<16xf32>
        %parallel_loop3A_302 = arith.subf %parallel_loop3A_301, %parallel_loop3A_299 : vector<16xf32>
        %parallel_loop3A_303 = arith.mulf %parallel_loop3A_294, %parallel_loop3A_302 : vector<16xf32>
        %parallel_loop3A_304 = arith.constant 5.000000e-01 : f32
        %parallel_loop3A_305 = vector.broadcast %parallel_loop3A_304 : f32 to vector<16xf32>
        %parallel_loop3A_306 = arith.mulf %parallel_loop3A_305, %parallel_loop3A_286 : vector<16xf32>
        %parallel_loop3A_307 = arith.mulf %parallel_loop3A_306, %parallel_loop3A_303 : vector<16xf32>
        %parallel_loop3A_308 = arith.mulf %parallel_loop3A_307, %parallel_loop3A_303 : vector<16xf32>
        %parallel_loop3A_309 = arith.constant 1.500000e+00 : f32
        %parallel_loop3A_310 = vector.broadcast %parallel_loop3A_309 : f32 to vector<16xf32>
        %parallel_loop3A_311 = arith.subf %parallel_loop3A_310, %parallel_loop3A_308 : vector<16xf32>
        %parallel_loop3A_312 = arith.mulf %parallel_loop3A_303, %parallel_loop3A_311 : vector<16xf32>
        %parallel_loop3A_313 = arith.constant 5.000000e-01 : f32
        %parallel_loop3A_314 = vector.broadcast %parallel_loop3A_313 : f32 to vector<16xf32>
        %parallel_loop3A_315 = arith.mulf %parallel_loop3A_314, %parallel_loop3A_286 : vector<16xf32>
        %parallel_loop3A_316 = arith.mulf %parallel_loop3A_315, %parallel_loop3A_312 : vector<16xf32>
        %parallel_loop3A_317 = arith.mulf %parallel_loop3A_316, %parallel_loop3A_312 : vector<16xf32>
        %parallel_loop3A_318 = arith.constant 1.500000e+00 : f32
        %parallel_loop3A_319 = vector.broadcast %parallel_loop3A_318 : f32 to vector<16xf32>
        %parallel_loop3A_320 = arith.subf %parallel_loop3A_319, %parallel_loop3A_317 : vector<16xf32>
        %parallel_loop3A_321 = arith.mulf %parallel_loop3A_312, %parallel_loop3A_320 : vector<16xf32>
        %parallel_loop3A_322 = arith.mulf %parallel_loop3A_286, %parallel_loop3A_321 : vector<16xf32>
        %parallel_loop3A_323 = arith.constant 3.000000e+03 : f32
        %parallel_loop3A_324 = vector.broadcast %parallel_loop3A_323 : f32 to vector<16xf32>
        %parallel_loop3A_325 = arith.divf %parallel_loop3A_322, %parallel_loop3A_324 : vector<16xf32>
        %parallel_loop3A_326 = arith.constant 1.000000e+00 : f32
        %parallel_loop3A_327 = vector.broadcast %parallel_loop3A_326 : f32 to vector<16xf32>
        %parallel_loop3A_328 = arith.addf %parallel_loop3A_327, %parallel_loop3A_325 : vector<16xf32>
        %parallel_loop3A_329 = arith.constant 1.000000e+00 : f32
        %parallel_loop3A_330 = vector.broadcast %parallel_loop3A_329 : f32 to vector<16xf32>
        %parallel_loop3A_331 = arith.divf %parallel_loop3A_330, %parallel_loop3A_328 : vector<16xf32>
        %parallel_loop3A_332 = arith.constant 6.000000e-01 : f32
        %parallel_loop3A_333 = vector.broadcast %parallel_loop3A_332 : f32 to vector<16xf32>
        %parallel_loop3A_334 = arith.subf %parallel_loop3A_331, %parallel_loop3A_333 : vector<16xf32>
        %parallel_loop3A_335 = arith.mulf %parallel_loop3A_334, %parallel_loop3A_268 : vector<16xf32>
        %parallel_loop3A_336 = arith.addf %parallel_loop3A_250, %parallel_loop3A_335 : vector<16xf32>
        %parallel_loop3A_337 = arith.mulf %parallel_loop3A_334, %parallel_loop3A_273 : vector<16xf32>
        %parallel_loop3A_338 = arith.addf %parallel_loop3A_255, %parallel_loop3A_337 : vector<16xf32>
        %parallel_loop3A_339 = arith.mulf %parallel_loop3A_334, %parallel_loop3A_278 : vector<16xf32>
        %parallel_loop3A_340 = arith.addf %parallel_loop3A_263, %parallel_loop3A_339 : vector<16xf32>
        %parallel_loop3A_341 = arith.mulf %parallel_loop3A_336, %parallel_loop3A_336 : vector<16xf32>
        %parallel_loop3A_342 = arith.mulf %parallel_loop3A_338, %parallel_loop3A_338 : vector<16xf32>
        %parallel_loop3A_343 = arith.addf %parallel_loop3A_341, %parallel_loop3A_342 : vector<16xf32>
        %parallel_loop3A_344 = arith.mulf %parallel_loop3A_340, %parallel_loop3A_340 : vector<16xf32>
        %parallel_loop3A_345 = arith.addf %parallel_loop3A_343, %parallel_loop3A_344 : vector<16xf32>
        %parallel_loop3A_346 = arith.cmpf oge, %parallel_loop3A_345, %get3A_63 : vector<16xf32>
        %parallel_loop3A_347 = arith.cmpf olt, %parallel_loop3A_345, %get3A_65 : vector<16xf32>
        %parallel_loop3A_348 = arith.andi %parallel_loop3A_346, %parallel_loop3A_347 : vector<16xi1>
        %parallel_loop3A_349 = arith.constant 1.000000e-03 : f32
        %parallel_loop3A_350 = vector.broadcast %parallel_loop3A_349 : f32 to vector<16xf32>
        %parallel_loop3A_351 = arith.cmpf ogt, %parallel_loop3A_340, %parallel_loop3A_350 : vector<16xf32>
        %parallel_loop3A_352 = arith.andi %parallel_loop3A_348, %parallel_loop3A_351 : vector<16xi1>
        %parallel_loop3A_353 = arith.constant 1.000000e-03 : f32
        %parallel_loop3A_354 = vector.broadcast %parallel_loop3A_353 : f32 to vector<16xf32>
        %parallel_loop3A_355 = arith.maximumf %parallel_loop3A_340, %parallel_loop3A_354 : vector<16xf32>
        %parallel_loop3A_356 = arith.divf %parallel_loop3A_336, %parallel_loop3A_355 : vector<16xf32>
        %parallel_loop3A_357 = arith.constant 2.000000e-01 : f32
        %parallel_loop3A_358 = vector.broadcast %parallel_loop3A_357 : f32 to vector<16xf32>
        %parallel_loop3A_359 = arith.divf %parallel_loop3A_356, %parallel_loop3A_358 : vector<16xf32>
        %parallel_loop3A_360 = arith.constant 5.000000e-01 : f32
        %parallel_loop3A_361 = vector.broadcast %parallel_loop3A_360 : f32 to vector<16xf32>
        %parallel_loop3A_362 = arith.addf %parallel_loop3A_359, %parallel_loop3A_361 : vector<16xf32>
        %parallel_loop3A_363 = arith.constant 1.024000e+03 : f32
        %parallel_loop3A_364 = vector.broadcast %parallel_loop3A_363 : f32 to vector<16xf32>
        %parallel_loop3A_365 = arith.mulf %parallel_loop3A_362, %parallel_loop3A_364 : vector<16xf32>
        %parallel_loop3A_366 = arith.divf %parallel_loop3A_338, %parallel_loop3A_355 : vector<16xf32>
        %parallel_loop3A_367 = arith.constant 2.000000e-01 : f32
        %parallel_loop3A_368 = vector.broadcast %parallel_loop3A_367 : f32 to vector<16xf32>
        %parallel_loop3A_369 = arith.divf %parallel_loop3A_366, %parallel_loop3A_368 : vector<16xf32>
        %parallel_loop3A_370 = arith.constant 5.000000e-01 : f32
        %parallel_loop3A_371 = vector.broadcast %parallel_loop3A_370 : f32 to vector<16xf32>
        %parallel_loop3A_372 = arith.addf %parallel_loop3A_369, %parallel_loop3A_371 : vector<16xf32>
        %parallel_loop3A_373 = arith.constant 1.024000e+03 : f32
        %parallel_loop3A_374 = vector.broadcast %parallel_loop3A_373 : f32 to vector<16xf32>
        %parallel_loop3A_375 = arith.mulf %parallel_loop3A_372, %parallel_loop3A_374 : vector<16xf32>
        %parallel_loop3A_376 = arith.constant 0.000000e+00 : f32
        %parallel_loop3A_377 = vector.broadcast %parallel_loop3A_376 : f32 to vector<16xf32>
        %parallel_loop3A_378 = arith.cmpf oge, %parallel_loop3A_365, %parallel_loop3A_377 : vector<16xf32>
        %parallel_loop3A_379 = arith.andi %parallel_loop3A_352, %parallel_loop3A_378 : vector<16xi1>
        %parallel_loop3A_380 = arith.constant 1.024000e+03 : f32
        %parallel_loop3A_381 = vector.broadcast %parallel_loop3A_380 : f32 to vector<16xf32>
        %parallel_loop3A_382 = arith.cmpf olt, %parallel_loop3A_365, %parallel_loop3A_381 : vector<16xf32>
        %parallel_loop3A_383 = arith.andi %parallel_loop3A_379, %parallel_loop3A_382 : vector<16xi1>
        %parallel_loop3A_384 = arith.constant 0.000000e+00 : f32
        %parallel_loop3A_385 = vector.broadcast %parallel_loop3A_384 : f32 to vector<16xf32>
        %parallel_loop3A_386 = arith.cmpf oge, %parallel_loop3A_375, %parallel_loop3A_385 : vector<16xf32>
        %parallel_loop3A_387 = arith.andi %parallel_loop3A_383, %parallel_loop3A_386 : vector<16xi1>
        %parallel_loop3A_388 = arith.constant 1.024000e+03 : f32
        %parallel_loop3A_389 = vector.broadcast %parallel_loop3A_388 : f32 to vector<16xf32>
        %parallel_loop3A_390 = arith.cmpf olt, %parallel_loop3A_375, %parallel_loop3A_389 : vector<16xf32>
        %parallel_loop3A_391 = arith.andi %parallel_loop3A_387, %parallel_loop3A_390 : vector<16xi1>
        %parallel_loop3A_392 = arith.constant 0.000000e+00 : f32
        %parallel_loop3A_393 = arith.constant 1.023000e+03 : f32
        %parallel_loop3A_394 = vector.broadcast %parallel_loop3A_392 : f32 to vector<16xf32>
        %parallel_loop3A_395 = arith.maximumf %parallel_loop3A_394, %parallel_loop3A_365 : vector<16xf32>
        %parallel_loop3A_396 = vector.broadcast %parallel_loop3A_393 : f32 to vector<16xf32>
        %parallel_loop3A_397 = arith.minimumf %parallel_loop3A_396, %parallel_loop3A_395 : vector<16xf32>
        %parallel_loop3A_398 = arith.fptosi %parallel_loop3A_397 : vector<16xf32> to vector<16xi32>
        %parallel_loop3A_399 = arith.constant 0.000000e+00 : f32
        %parallel_loop3A_400 = arith.constant 1.023000e+03 : f32
        %parallel_loop3A_401 = vector.broadcast %parallel_loop3A_399 : f32 to vector<16xf32>
        %parallel_loop3A_402 = arith.maximumf %parallel_loop3A_401, %parallel_loop3A_375 : vector<16xf32>
        %parallel_loop3A_403 = vector.broadcast %parallel_loop3A_400 : f32 to vector<16xf32>
        %parallel_loop3A_404 = arith.minimumf %parallel_loop3A_403, %parallel_loop3A_402 : vector<16xf32>
        %parallel_loop3A_405 = arith.fptosi %parallel_loop3A_404 : vector<16xf32> to vector<16xi32>
        %parallel_loop3A_406 = arith.constant 10 : i32
        %parallel_loop3A_407 = vector.broadcast %parallel_loop3A_406 : i32 to vector<16xi32>
        %parallel_loop3A_408 = arith.shli %parallel_loop3A_405, %parallel_loop3A_407 : vector<16xi32>
        %parallel_loop3A_409 = arith.addi %parallel_loop3A_408, %parallel_loop3A_398 : vector<16xi32>
        %parallel_loop3A_410 = arith.constant 0.000000e+00 : f32
        %parallel_loop3A_411 = vector.broadcast %parallel_loop3A_410 : f32 to vector<16xf32>
        %parallel_loop3A_412 = arith.select %parallel_loop3A_391, %parallel_loop3A_245, %parallel_loop3A_411 : vector<16xi1>, vector<16xf32>
        %parallel_loop3A_413 = arith.index_cast %parallel_loop3A_231 : i32 to index
        %parallel_loop3A_414 = tpu.vector_load %arg18[%parallel_loop3A_413] {strides = array<i32>} : memref<4096xi32, #tpu.memory_space<vmem>>, vector<16xi32>,
        tpu.vector_store %arg18[%parallel_loop3A_413], %parallel_loop3A_409 {strides = array<i32>} : memref<4096xi32, #tpu.memory_space<vmem>>, vector<16xi32>,
        %parallel_loop3A_415 = arith.index_cast %parallel_loop3A_231 : i32 to index
        %parallel_loop3A_416 = tpu.vector_load %arg19[%parallel_loop3A_415] {strides = array<i32>} : memref<4096xf32, #tpu.memory_space<vmem>>, vector<16xf32>,
        tpu.vector_store %arg19[%parallel_loop3A_415], %parallel_loop3A_412 {strides = array<i32>} : memref<4096xf32, #tpu.memory_space<vmem>>, vector<16xf32>,
        %parallel_loop3A_417 = arith.constant 256 : i32
        %parallel_loop3A_418 = arith.minsi %parallel_loop3A_229, %parallel_loop3A_417 : i32
        %parallel_loop3A_419 = arith.index_cast %parallel_loop3A_418 : i32 to index
        %parallel_loop3A_420 = tpu.vector_load %arg20[%parallel_loop3A_419] masked %parallel_loop3A_391 {strides = array<i32>} : memref<272xi32, #tpu.memory_space<vmem>>, vector<16xi32>, vector<16xi1>
        tpu.vector_store %arg20[%parallel_loop3A_419], %parallel_loop3A_409 masked %parallel_loop3A_391 {strides = array<i32>} : memref<272xi32, #tpu.memory_space<vmem>>, vector<16xi32>, vector<16xi1>
        %parallel_loop3A_421 = arith.index_cast %parallel_loop3A_418 : i32 to index
        %parallel_loop3A_422 = tpu.vector_load %arg21[%parallel_loop3A_421] masked %parallel_loop3A_391 {strides = array<i32>} : memref<272xf32, #tpu.memory_space<vmem>>, vector<16xf32>, vector<16xi1>
        tpu.vector_store %arg21[%parallel_loop3A_421], %parallel_loop3A_412 masked %parallel_loop3A_391 {strides = array<i32>} : memref<272xf32, #tpu.memory_space<vmem>>, vector<16xf32>, vector<16xi1>
        %parallel_loop3A_423 = tpu.all_reduce %parallel_loop3A_391 {dim = 0 : i64, kind = #tpu.reduction_kind<sum>} : vector<16xi1> -> vector<16xi32>
        %parallel_loop3A_424 = arith.constant true
        %parallel_loop3A_425 = vector.broadcast %parallel_loop3A_424 : i1 to vector<16xi1>
        %parallel_loop3A_426 = arith.constant -2147483648 : i32
        %parallel_loop3A_427 = vector.broadcast %parallel_loop3A_426 : i32 to vector<16xi32>
        %parallel_loop3A_428 = arith.xori %parallel_loop3A_423, %parallel_loop3A_427 : vector<16xi32>
        %parallel_loop3A_429 = tpu.scan <max>, %parallel_loop3A_428 masked %parallel_loop3A_425 : vector<16xi32>, vector<16xi1> -> vector<16xi32>
        %parallel_loop3A_430 = arith.xori %parallel_loop3A_429, %parallel_loop3A_427 : vector<16xi32>
        %parallel_loop3A_431 = vector.extract %parallel_loop3A_430[15] : i32 from vector<16xi32>
        %parallel_loop3A_432 = arith.addi %parallel_loop3A_229, %parallel_loop3A_431 : i32
        scf.yield %parallel_loop3A_432 : i32
      } {sc.loop_unroll_factor = 4 : i64, sc.parallel_access}
      %lt3A = arith.constant 31 : i32
      %lt3A_218 = arith.cmpi slt, %scan3A_94, %lt3A : i32
      %convert_element_type3A = arith.extui %lt3A_218 : i1 to i32
      %cond3A = arith.constant 0 : i32
      %cond3A_219 = arith.cmpi ne, %convert_element_type3A, %cond3A : i32
      scf.if %cond3A_219 {
        %add3A_228 = arith.constant 1 : i32
        %add3A_229 = arith.addi %scan3A_94, %add3A_228 : i32
        %mul3A_230 = arith.constant 131072 : i32
        %mul3A_231 = arith.muli %add3A, %mul3A_230 : i32
        %mul3A_232 = arith.constant 4096 : i32
        %mul3A_233 = arith.muli %add3A_229, %mul3A_232 : i32
        %add3A_234 = arith.addi %mul3A_231, %mul3A_233 : i32
        %dma_start3A_235 = tpu.memref_slice %arg2[%add3A_234] : memref<4194304xf32, #tpu.memory_space<hbm>> -> memref<4096xf32, #tpu.memory_space<hbm>>
        %dma_start3A_236 = tpu.memref_slice %arg2[%add3A_234] : memref<4194304xf32, #tpu.memory_space<hbm>> -> memref<4096xf32, #tpu.memory_space<hbm>>
        tpu.enqueue_dma source(%dma_start3A_236 : memref<4096xf32, #tpu.memory_space<hbm>>) target(%arg11 : memref<4096xf32, #tpu.memory_space<vmem>>) target_semaphore(%arg25 : memref<!tpu.dma_semaphore, #tpu.memory_space<semaphore_mem>>)
        %dma_start3A_237 = tpu.memref_slice %arg3[%add3A_234] : memref<4194304xf32, #tpu.memory_space<hbm>> -> memref<4096xf32, #tpu.memory_space<hbm>>
        %dma_start3A_238 = tpu.memref_slice %arg3[%add3A_234] : memref<4194304xf32, #tpu.memory_space<hbm>> -> memref<4096xf32, #tpu.memory_space<hbm>>
        tpu.enqueue_dma source(%dma_start3A_238 : memref<4096xf32, #tpu.memory_space<hbm>>) target(%arg12 : memref<4096xf32, #tpu.memory_space<vmem>>) target_semaphore(%arg25 : memref<!tpu.dma_semaphore, #tpu.memory_space<semaphore_mem>>)
        %dma_start3A_239 = tpu.memref_slice %arg4[%add3A_234] : memref<4194304xf32, #tpu.memory_space<hbm>> -> memref<4096xf32, #tpu.memory_space<hbm>>
        %dma_start3A_240 = tpu.memref_slice %arg4[%add3A_234] : memref<4194304xf32, #tpu.memory_space<hbm>> -> memref<4096xf32, #tpu.memory_space<hbm>>
        tpu.enqueue_dma source(%dma_start3A_240 : memref<4096xf32, #tpu.memory_space<hbm>>) target(%arg13 : memref<4096xf32, #tpu.memory_space<vmem>>) target_semaphore(%arg25 : memref<!tpu.dma_semaphore, #tpu.memory_space<semaphore_mem>>)
        %dma_start3A_241 = tpu.memref_slice %arg5[%add3A_234] : memref<4194304xf32, #tpu.memory_space<hbm>> -> memref<4096xf32, #tpu.memory_space<hbm>>
        %dma_start3A_242 = tpu.memref_slice %arg5[%add3A_234] : memref<4194304xf32, #tpu.memory_space<hbm>> -> memref<4096xf32, #tpu.memory_space<hbm>>
        tpu.enqueue_dma source(%dma_start3A_242 : memref<4096xf32, #tpu.memory_space<hbm>>) target(%arg14 : memref<4096xf32, #tpu.memory_space<vmem>>) target_semaphore(%arg25 : memref<!tpu.dma_semaphore, #tpu.memory_space<semaphore_mem>>)
        %dma_start3A_243 = tpu.memref_slice %arg6[%add3A_234] : memref<4194304xf32, #tpu.memory_space<hbm>> -> memref<4096xf32, #tpu.memory_space<hbm>>
        %dma_start3A_244 = tpu.memref_slice %arg6[%add3A_234] : memref<4194304xf32, #tpu.memory_space<hbm>> -> memref<4096xf32, #tpu.memory_space<hbm>>
        tpu.enqueue_dma source(%dma_start3A_244 : memref<4096xf32, #tpu.memory_space<hbm>>) target(%arg15 : memref<4096xf32, #tpu.memory_space<vmem>>) target_semaphore(%arg25 : memref<!tpu.dma_semaphore, #tpu.memory_space<semaphore_mem>>)
        %dma_start3A_245 = tpu.memref_slice %arg7[%add3A_234] : memref<4194304xf32, #tpu.memory_space<hbm>> -> memref<4096xf32, #tpu.memory_space<hbm>>
        %dma_start3A_246 = tpu.memref_slice %arg7[%add3A_234] : memref<4194304xf32, #tpu.memory_space<hbm>> -> memref<4096xf32, #tpu.memory_space<hbm>>
        tpu.enqueue_dma source(%dma_start3A_246 : memref<4096xf32, #tpu.memory_space<hbm>>) target(%arg16 : memref<4096xf32, #tpu.memory_space<vmem>>) target_semaphore(%arg25 : memref<!tpu.dma_semaphore, #tpu.memory_space<semaphore_mem>>)
        %dma_start3A_247 = tpu.memref_slice %arg8[%add3A_234] : memref<4194304xf32, #tpu.memory_space<hbm>> -> memref<4096xf32, #tpu.memory_space<hbm>>
        %dma_start3A_248 = tpu.memref_slice %arg8[%add3A_234] : memref<4194304xf32, #tpu.memory_space<hbm>> -> memref<4096xf32, #tpu.memory_space<hbm>>
        tpu.enqueue_dma source(%dma_start3A_248 : memref<4096xf32, #tpu.memory_space<hbm>>) target(%arg17 : memref<4096xf32, #tpu.memory_space<vmem>>) target_semaphore(%arg25 : memref<!tpu.dma_semaphore, #tpu.memory_space<semaphore_mem>>)
      } else {
      }
      %le3A = arith.constant 256 : i32
      %le3A_220 = arith.cmpi sle, %parallel_loop3A_217, %le3A : i32
      %convert_element_type3A_221 = arith.extui %le3A_220 : i1 to i32
      %cond3A_222 = arith.constant 0 : i32
      %cond3A_223 = arith.cmpi ne, %convert_element_type3A_221, %cond3A_222 : i32
      scf.if %cond3A_223 {
        "tpu.region"() ({
          %run_scoped3A = tpu.sem_alloc : memref<!tpu.dma_semaphore, #tpu.memory_space<semaphore_mem>>
          %dma_start3A_228 = arith.constant 0 : i32
          %dma_start3A_229 = tpu.memref_slice %arg24[%dma_start3A_228] : memref<1048576xf32, #tpu.memory_space<vmem_shared>> -> memref<1048576xf32, #tpu.memory_space<vmem_shared>>
          tpu.enqueue_indirect_dma source(%arg21 : memref<272xf32, #tpu.memory_space<vmem>>) target(%dma_start3A_229 : memref<1048576xf32, #tpu.memory_space<vmem_shared>>) offsets(%arg20 : memref<272xi32, #tpu.memory_space<vmem>>) semaphore(%run_scoped3A : memref<!tpu.dma_semaphore, #tpu.memory_space<semaphore_mem>>) {add = true}
          %dma_wait3A_230 = arith.constant 0 : i32
          %dma_wait3A_231 = tpu.memref_slice %arg24[%dma_wait3A_230] : memref<1048576xf32, #tpu.memory_space<vmem_shared>> -> memref<1048576xf32, #tpu.memory_space<vmem_shared>>
          tpu.wait_indirect_dma semaphore(%run_scoped3A : memref<!tpu.dma_semaphore, #tpu.memory_space<semaphore_mem>>) src(%arg21 : memref<272xf32, #tpu.memory_space<vmem>>) dst(%dma_wait3A_231 : memref<1048576xf32, #tpu.memory_space<vmem_shared>>)
          tpu.yield
        }) : () -> ()
      } else {
      }
      %gt3A = arith.constant 256 : i32
      %gt3A_224 = arith.cmpi sgt, %parallel_loop3A_217, %gt3A : i32
      %convert_element_type3A_225 = arith.extui %gt3A_224 : i1 to i32
      %cond3A_226 = arith.constant 0 : i32
      %cond3A_227 = arith.cmpi ne, %convert_element_type3A_225, %cond3A_226 : i32
      scf.if %cond3A_227 {
        "tpu.region"() ({
          %run_scoped3A = tpu.sem_alloc : memref<!tpu.dma_semaphore, #tpu.memory_space<semaphore_mem>>
          %dma_start3A_228 = arith.constant 0 : i32
          %dma_start3A_229 = tpu.memref_slice %arg24[%dma_start3A_228] : memref<1048576xf32, #tpu.memory_space<vmem_shared>> -> memref<1048576xf32, #tpu.memory_space<vmem_shared>>
          tpu.enqueue_indirect_dma source(%arg19 : memref<4096xf32, #tpu.memory_space<vmem>>) target(%dma_start3A_229 : memref<1048576xf32, #tpu.memory_space<vmem_shared>>) offsets(%arg18 : memref<4096xi32, #tpu.memory_space<vmem>>) semaphore(%run_scoped3A : memref<!tpu.dma_semaphore, #tpu.memory_space<semaphore_mem>>) {add = true}
          %dma_wait3A_230 = arith.constant 0 : i32
          %dma_wait3A_231 = tpu.memref_slice %arg24[%dma_wait3A_230] : memref<1048576xf32, #tpu.memory_space<vmem_shared>> -> memref<1048576xf32, #tpu.memory_space<vmem_shared>>
          tpu.wait_indirect_dma semaphore(%run_scoped3A : memref<!tpu.dma_semaphore, #tpu.memory_space<semaphore_mem>>) src(%arg19 : memref<4096xf32, #tpu.memory_space<vmem>>) dst(%dma_wait3A_231 : memref<1048576xf32, #tpu.memory_space<vmem_shared>>)
          tpu.yield
        }) : () -> ()
      } else {
      }
    }
    %scan3A_88 = arith.constant 32 : i32
    %barrier3A_89 = arith.constant 0 : index
    tpu.barrier barrier_id(%barrier3A_89)
    %mul3A_90 = arith.constant 65536 : i32
    %mul3A_91 = arith.muli %arg1, %mul3A_90 : i32
    %mul3A_92 = arith.constant 65536 : i32
    %mul3A_93 = arith.muli %arg1, %mul3A_92 : i32
    "tpu.region"() ({
      %run_scoped3A = tpu.sem_alloc : memref<!tpu.dma_semaphore, #tpu.memory_space<semaphore_mem>>
      %dma_start3A_94 = tpu.memref_slice %arg10[%arg0, %mul3A_93] : memref<2x1048576xf32, #tpu.memory_space<hbm>> -> memref<1x65536xf32, #tpu.memory_space<hbm>>
      %dma_start3A_95 = tpu.memref_squeeze %dma_start3A_94 : memref<1x65536xf32, #tpu.memory_space<hbm>> -> memref<65536xf32, #tpu.memory_space<hbm>>
      %dma_start3A_96 = tpu.memref_slice %arg24[%mul3A_91] : memref<1048576xf32, #tpu.memory_space<vmem_shared>> -> memref<65536xf32, #tpu.memory_space<vmem_shared>>
      tpu.enqueue_dma source(%dma_start3A_96 : memref<65536xf32, #tpu.memory_space<vmem_shared>>) target(%dma_start3A_95 : memref<65536xf32, #tpu.memory_space<hbm>>) target_semaphore(%run_scoped3A : memref<!tpu.dma_semaphore, #tpu.memory_space<semaphore_mem>>)
      %dma_wait3A = tpu.memref_slice %arg10[%arg0, %mul3A_93] : memref<2x1048576xf32, #tpu.memory_space<hbm>> -> memref<1x65536xf32, #tpu.memory_space<hbm>>
      %dma_wait3A_97 = tpu.memref_squeeze %dma_wait3A : memref<1x65536xf32, #tpu.memory_space<hbm>> -> memref<65536xf32, #tpu.memory_space<hbm>>
      %dma_wait3A_98 = tpu.memref_slice %arg24[%mul3A_91] : memref<1048576xf32, #tpu.memory_space<vmem_shared>> -> memref<65536xf32, #tpu.memory_space<vmem_shared>>
      tpu.wait_dma2 semaphore(%run_scoped3A : memref<!tpu.dma_semaphore, #tpu.memory_space<semaphore_mem>>) src(%dma_wait3A_98 : memref<65536xf32, #tpu.memory_space<vmem_shared>>) dst(%dma_wait3A_97 : memref<65536xf32, #tpu.memory_space<hbm>>)
      tpu.yield
    }) : () -> ()
    return
  }
}

</mosaic_0001>

<sc_bundles>
// kernel: _paint.3.cloned.1.call-start
scs
__scs_entry_jumppad:
0x0: {  	(pc) =	sbr.rel $0x88, $3  }
0x1: {  	(tag) =	ssettag $0x0;
	lr =	simm.s32 $0x1  }
0x2: {  	[smem:$0x3F99] =	sst lr;
	_ =	strace $0xD0000000  }
0x3: {  	_ = 	snop  }
0x4: {  	_ = 	snop  }
0x5: {  	_ = 	snop  }
0x6: {  	_ = 	snop  }
0x7: {  	_ = 	snop  }
__scs_overlays_trampoline_lowered:
0x8: {  	[smem:$0x3FA8] =	sst s0  }
0x9: {  	[smem:$0x3FA9] =	sst s1  }
0xa: {  	[smem:$0x3FAA] =	sst s2  }
0xb: {  	[smem:$0x3FAB] =	sst s3  }
0xc: {  	[smem:$0x3FAC] =	sst s4  }
0xd: {  	[smem:$0x3FAD] =	sst s5  }
0xe: {  	[smem:$0x3FAE] =	sst s6  }
0xf: {  	[smem:$0x3FAF] =	sst s7  }
0x10: {  	[smem:$0x3FB0] =	sst s8  }
0x11: {  	[smem:$0x3FB1] =	sst s9;
	s0 =	simm.s32 @!p0 $0x0  }
0x12: {  	s1 =	sld [smem:$0x3F97];
	s0 =	simm.s32 @p0 $0x1  }
0x13: {  	[smem:$0x3FB2] =	sst s0;
	s0 =	simm.s32 @!p1 $0x0  }
0x14: {  	s2 =	sld [smem:$0x3F96];
	s0 =	simm.s32 @p1 $0x1  }
0x15: {  	[smem:$0x3FB3] =	sst s0;
	s0 =	simm.s32 @!p2 $0x0  }
0x16: {  	s3 =	sld [smem:$0x3FDB];
	s0 =	simm.s32 @p2 $0x1  }
0x17: {  	s4 =	simm.s32 $0x1BF5;
	[smem:$0x3FB5] =	sst s0  }
0x18: {  	s0 =	sld [smem:$0x3F98];
	_ =	swait.ge [sflag:s4], $0x0  }
0x19: {  	s7 =	sld [smem:$0x3F99]  }
0x1a: {  	s8 =	sadd.s32 $0xFFFFE003, lr  }
0x1b: {  	s9 =	sadd.s32 $0xFFFFFEF7, lr;
	s5 =	simm.s32 $0xFFFFFFFF;
	p2 =	slt.u32 s8, $0xFFFFF086  }
0x1c: {  	p1 =	slt.u32 s9, $0xF7A;
	s5 =	simm.s32 @!p2 $0x0  }
0x1d: {  	s5 =	simm.s32 @p1 $0x1;
	p0 =	seq.s32 s7, s2  }
0x1e: {  	s7 =	smul.u32 @!p0 $0xF7A, s2;
	p2 =	seq.s32 @!p0 s5, $0x0  }
0x1f: {  	s9 =	smul.u32 $0xF7A, s1;
	s8 =	simm.s32 @!p0 $0x1BF5;
	p2 =	por !p2, p0  }
0x20: {  	[sflag:s8] =	ssyncset.s32 @!p0 $0xFFFFF086;
	s6 =	sadd.s32 @!p0 s3, s7;
	s7 =	simm.s32 @!p0 $0x108  }
0x21: {  	s3 =	sadd.s32 s3, s9;
	s6 =	sadd.s32 @!p0 $0x88, s6;
	s7 =	simm.s32 @p2 $0x1082  }
0x22: {  	[simem:s7], [sflag:s8] =	dma.local @!p0 [hbm:s6], $0xF7A  }
0x23: {  	s9 =	sor.u32 $0xD0000000, s2;
	s6 =	simm.s32 $0x108;
	_ =	swait.ge @!p0 [sflag:s8], $0x0  }
0x24: {  	s3 =	sadd.s32 $0x88, s3;
	s6 =	simm.s32 @!p1 $0x1082;
	[sflag:s4] =	ssyncset.s32 $0xFFFFF086  }
0x25: {  	[simem:s6], [sflag:s4] =	dma.local [hbm:s3], $0xF7A  }
0x26: {  	[smem:$0x3F99] =	sst s1;
	(tag) =	ssettag s2;
	_ =	strace s9  }
0x27: {  	s1 =	sld [smem:$0x3FA9]  }
0x28: {  	s2 =	sld [smem:$0x3FAA]  }
0x29: {  	s4 =	sld [smem:$0x3FAC]  }
0x2a: {  	p0 =	seq.s32 s5, $0x0;
	s5 =	sld [smem:$0x3FAD]  }
0x2b: {  	s6 =	sld [smem:$0x3FAE]  }
0x2c: {  	s7 =	sld [smem:$0x3FAF]  }
0x2d: {  	s3 =	simm.s32 $0x108;
	s8 =	sld [smem:$0x3FB0]  }
0x2e: {  	s3 =	simm.s32 @!p0 $0x1082;
	s9 =	sld [smem:$0x3FB1]  }
0x2f: {  	lr =	sadd.s32 s0, s3;
	s0 =	sld [smem:$0x3FA8]  }
0x30: {  	s3 =	sld [smem:$0x3FAB]  }
0x31: {  	[smem:$0x3FB4] =	sst s10  }
0x32: {  	s10 =	sld [smem:$0x3FB2];
	_ =	sdelay $0x3  }
0x33: {  	p0 =	seq.s32 s10, $0x1;
	s10 =	sld [smem:$0x3FB4];
	_ =	sdelay $0x3  }
0x34: {  	[smem:$0x3FB4] =	sst s10  }
0x35: {  	s10 =	sld [smem:$0x3FB3];
	_ =	sdelay $0x3  }
0x36: {  	p1 =	seq.s32 s10, $0x1;
	s10 =	sld [smem:$0x3FB4];
	_ =	sdelay $0x3  }
0x37: {  	[smem:$0x3FB4] =	sst s10  }
0x38: {  	s10 =	sld [smem:$0x3FB5]  }
0x39: {  	_ = 	snop;
	(pc) =	sbr.ind lr, $3  }
0x3a: {  	_ = 	snop  }
0x3b: {  	_ = 	snop  }
0x3c: {  	p2 =	seq.s32 s10, $0x1;
	s10 =	sld [smem:$0x3FB4]  }
0x3d: {  	_ =	shalt  }
0x3e: {  	_ =	shalt  }
0x3f: {  	_ =	shalt  }
0x40: {  	_ =	shalt  }
0x41: {  	_ =	shalt  }
0x42: {  	_ =	shalt  }
0x43: {  	_ =	shalt  }
0x44: {  	_ =	shalt  }
0x45: {  	_ =	shalt  }
0x46: {  	_ =	shalt  }
0x47: {  	_ =	shalt  }
0x48: {  	_ =	shalt  }
0x49: {  	_ =	shalt  }
0x4a: {  	_ =	shalt  }
0x4b: {  	_ =	shalt  }
0x4c: {  	_ =	shalt  }
0x4d: {  	_ =	shalt  }
0x4e: {  	_ =	shalt  }
0x4f: {  	_ =	shalt  }
0x50: {  	_ =	shalt  }
0x51: {  	_ =	shalt  }
0x52: {  	_ =	shalt  }
0x53: {  	_ =	shalt  }
0x54: {  	_ =	shalt  }
0x55: {  	_ =	shalt  }
0x56: {  	_ =	shalt  }
0x57: {  	_ =	shalt  }
0x58: {  	_ =	shalt  }
0x59: {  	_ =	shalt  }
0x5a: {  	_ =	shalt  }
0x5b: {  	_ =	shalt  }
0x5c: {  	_ =	shalt  }
0x5d: {  	_ =	shalt  }
0x5e: {  	_ =	shalt  }
0x5f: {  	_ =	shalt  }
0x60: {  	_ =	shalt  }
0x61: {  	_ =	shalt  }
0x62: {  	_ =	shalt  }
0x63: {  	_ =	shalt  }
0x64: {  	_ =	shalt  }
0x65: {  	_ =	shalt  }
0x66: {  	_ =	shalt  }
0x67: {  	_ =	shalt  }
0x68: {  	_ =	shalt  }
0x69: {  	_ =	shalt  }
0x6a: {  	_ =	shalt  }
0x6b: {  	_ =	shalt  }
0x6c: {  	_ =	shalt  }
0x6d: {  	_ =	shalt  }
0x6e: {  	_ =	shalt  }
0x6f: {  	_ =	shalt  }
0x70: {  	_ =	shalt  }
0x71: {  	_ =	shalt  }
0x72: {  	_ =	shalt  }
0x73: {  	_ =	shalt  }
0x74: {  	_ =	shalt  }
0x75: {  	_ =	shalt  }
0x76: {  	_ =	shalt  }
0x77: {  	_ =	shalt  }
0x78: {  	_ =	shalt  }
0x79: {  	_ =	shalt  }
0x7a: {  	_ =	shalt  }
0x7b: {  	_ =	shalt  }
0x7c: {  	_ =	shalt  }
0x7d: {  	_ =	shalt  }
0x7e: {  	_ =	shalt  }
0x7f: {  	_ =	shalt  }
0x80: {  	_ =	shalt  }
0x81: {  	_ =	shalt  }
0x82: {  	_ =	shalt  }
0x83: {  	_ =	shalt  }
0x84: {  	_ =	shalt  }
0x85: {  	_ =	shalt  }
0x86: {  	_ =	shalt  }
0x87: {  	_ =	shalt  }
.Lfunc_end0:
.L_simem_size_0:
called_computation_lowered:
.L_overlay_start_0:
0x88: {  	s2 =	sld [smem:$0x3FD9]  }
0x89: {  	s3 =	sld [smem:$0x3FFE];
	_ =	sdelay $0x1  }
0x8a: {  	s1 =	srdreg.scid  }
0x8b: {  	s0 =	sand.u32 $0x1, s1  }
0x8c: {  	s18 =	sshll.u32 s0, $0xA;
	s2 =	sadd.s32 s3, s2  }
0x8d: {  	s2 =	sadd.s32 s2, s18  }
0x8e: {  	[smem:$0x3FC0] =	sst s2  }
0x8f: {  	_ = 	snop  }
0x90: {  	s2 =	sld [smem:$0x3FC9]  }
0x91: {  	s19 =	sld [smem:$0x3FC8]  }
0x92: {  	s4 =	sld [smem:$0x3FC7]  }
0x93: {  	s5 =	sld [smem:$0x3FC6]  }
0x94: {  	s6 =	sld [smem:$0x3FC5]  }
0x95: {  	s7 =	sld [smem:$0x3FC4]  }
0x96: {  	s8 =	sld [smem:$0x3FC3]  }
0x97: {  	s9 =	sld [smem:$0x3FC2]  }
0x98: {  	s10 =	sld [smem:$0x3FD0];
	(tm) =	ssettm $0x1  }
0x99: {  	s11 =	sld [smem:$0x3FFB];
	_ =	sdelay $0x3  }
0x9a: {  	_ =	strace s11  }
0x9b: {  	s11 =	sld [smem:$0x3FFC];
	_ =	sdelay $0x3  }
0x9c: {  	_ =	strace s11  }
0x9d: {  	s11 =	sld [smem:$0x3FFD];
	_ =	sdelay $0x3  }
0x9e: {  	_ =	strace s11  }
0x9f: {  	_ =	strace $0x8FFFFFFF  }
0xa0: {  	s20 =	sld [smem:$0x3FDB];
	_ =	sdelay $0x1  }
0xa1: {  	s12 =	simm.s32 $_scs_section_size  }
0xa2: {  	s13 =	simm.s32 $_size__tile_overlayer_lowered;
	s14 =	simm.s32 $_tile_overlayer_lowered  }
0xa3: {  	s23 =	simm.s32 $0x1BFF;
	s22 =	sshll.u32 s14, $0x1;
	s11 =	sadd.s32 s12, s20  }
0xa4: {  	s15 =	simm.s32 $0x0;
	s21 =	sshll.u32 s13, $0x1;
	s13 =	sadd.s32 s22, s11  }
0xa5: {  	[timem:s15], [sflag:s23] =	dma.local [hbm:s13], s21  }
0xa6: {  	_ =	swait.ge [sflag:s23], s21  }
0xa7: {  	s12 =	ssub.s32 $0x0, s21;
	[sflag:s23] =	ssyncset.done $0x0  }
0xa8: {  	[sflag:s23] =	ssyncadd.s32 s12;
	_ =	sdelay $0x1  }
0xa9: {  	s24 =	simm.s32 $0x1B8B  }
0xaa: {  	_ =	swait.ge [sflag:s24], $0x1  }
0xab: {  	[sflag:s24] =	ssyncset.done $0x0  }
0xac: {  	s25 =	simm.s32 $0x1B8E;
	[sflag:s24] =	ssyncadd.s32 $0xFFFFFFFF  }
0xad: {  	s26 =	simm.s32 $execute0_lowered;
	[smem:$0x3FD2] =	sst s25  }
0xae: {  	s12 =	sshll.u32 s26, $0x1;
	_ =	strace $0x80000046;
	[dreg:$0x1] =	wrdreg $0xFFFFFFFF  }
0xaf: {  	s28 =	simm.s32 $_size_execute0_lowered;
	s11 =	sadd.s32 s11, s12;
	[dreg:$0x0] =	wrdreg $0x0  }
0xb0: {  	s12 =	sshll.u32 s28, $0x1;
	[dreg:$0x2] =	wrdreg s11  }
0xb1: {  	[dreg:$0x3] =	wrdreg s12  }
0xb2: {  	[dreg:$0x4] =	wrdreg $0xC0  }
0xb3: {  	_ =	task [dreg:s15], $0x5FFFF  }
0xb4: {  	[dreg:$0x1] =	wrdreg $0xFFFFFFFF  }
0xb5: {  	[dreg:$0x0] =	wrdreg $0x60  }
0xb6: {  	[dreg:$0x2] =	wrdreg s2  }
0xb7: {  	[dreg:$0x3] =	wrdreg s19  }
0xb8: {  	[dreg:$0x4] =	wrdreg s4  }
0xb9: {  	[dreg:$0x5] =	wrdreg s5  }
0xba: {  	[dreg:$0x6] =	wrdreg s6  }
0xbb: {  	[dreg:$0x7] =	wrdreg s7  }
0xbc: {  	[dreg:$0x8] =	wrdreg s8  }
0xbd: {  	[dreg:$0x9] =	wrdreg s9  }
0xbe: {  	[dreg:$0xa] =	wrdreg s10  }
0xbf: {  	[dreg:$0xb] =	wrdreg $0xB4000  }
0xc0: {  	[dreg:$0xc] =	wrdreg $0x9  }
0xc1: {  	_ =	task.clear_ibuf [dreg:s15], $0xDFFFF;
	_ =	strace $0x90000046  }
0xc2: {  	s29 =	simm.s32 $0x9;
	_ =	strace $0x80000048  }
0xc3: {  	_ =	swait.ge [sflag:s29], $0x1  }
0xc4: {  	[sflag:s29] =	ssyncadd.s32 $0xFFFFFFFF  }
0xc5: {  	_ =	strace $0x90000048  }
0xc6: {  	_ =	sfence  }
0xc7: {  	s30 =	sld [smem:$0x0];
	_ =	sdelay $0x2  }
0xc8: {  	s31 =	sshll.u32 s1, $0xD;
	s1 =	sshrl.u32 s1, $0x2  }
0xc9: {  	s3 =	sand.u32 $0x4000, s31;
	s1 =	sadd.s32 s1, s30  }
0xca: {  	s0 =	sor.u32 s3, s0;
	s1 =	sshll.u32 s1, $0x11  }
0xcb: {  	s0 =	sor.u32 s1, s0  }
0xcc: {  	s0 =	sadd.s32 $0x8F2B, s0  }
0xcd: {  	[sflag:s0] =	ssyncadd.remote.s32 $0x1  }
0xce: {  	_ =	sfence.sel $0xFFFF  }
0xcf: {  	[dreg:$0x0] =	wrdreg $0xFFFFFFFF;
	(pc) =	sbr.abs _section_cstart, $3  }
0xd0: {  	[dreg:$0x1] =	wrdreg $0xFFFFFFFF  }
0xd1: {  	_ =	task.clear_ibuf [dreg:s15], $0x2FFFF;
	_ =	strace $0x9FFFFFFF  }
0xd2: {  	(tm) =	ssettm $0x7FFFFFFF  }
0xd3: {  	_ =	shalt  }
tec
execute0_lowered:
.L_overlay_start_1:
0x0: {  	(tag) =	ssettag $0x1  }
0x1: {  	s0 =	rddreg [dreg:$0x0]  }
0x2: {  	s1 =	rddreg [dreg:$0x1]  }
0x3: {  	s2 =	rddreg [dreg:$0x2]  }
0x4: {  	s3 =	rddreg [dreg:$0x3]  }
0x5: {  	s4 =	rddreg [dreg:$0x4]  }
0x6: {  	s6 =	rddreg [dreg:$0x5]  }
0x7: {  	s7 =	rddreg [dreg:$0x6]  }
0x8: {  	s5 =	rddreg [dreg:$0x8];
	s8 =	srdreg.scid  }
0x9: {  	s9 =	rddreg [dreg:$0x9];
	s10 =	simm.s32 $0x0;
	s8 =	sand.u32 $0x1, s8  }
0xa: {  	s15 =	stileid.u32;
	[smem:$0x7FF] =	sst s10;
	s11 =	ssub.s32 $0x2, s8  }
0xb: {  	s13 =	sshll.u32 s15, $0x10;
	s15 =	sshll.u32 s15, $0x11;
	s12 =	sshrl.u32 s11, $0x1  }
0xc: {  	s14 =	sshll.u32 s8, $0x15;
	s11 =	ssub.s32 s11, s12;
	s12 =	sadd.s32 s13, s9  }
0xd: {  	_ =	strace $0x80000047;
	s25 =	sor.u32 s15, s14;
	s26 =	sadd.s32 $0x2000, s12  }
0xe: {  	s17 =	sshrl.u32 s25, $0x3;
	s16 =	sadd.s32 $0x4000, s12;
	[dreg:$0xb] =	wrdreg s26  }
0xf: {  	v0 =	vimm.f32 $3.000000000e+03;
	s18 =	sadd.s32 s0, s17;
	[dreg:$0xc] =	wrdreg s16  }
0x10: {  	(erf) = vrcp.f32 v0;
	v0 =	vimm.f32 $2.000000030e-01;
	s19 =	sadd.s32 s1, s17;
	[dreg:$0xe] =	wrdreg s18  }
0x11: {  	s8 =	sshll.u32 s8, $0x7;
	(erf) = vrcp.f32 v0;
	s20 =	sadd.s32 s2, s17;
	[dreg:$0xf] =	wrdreg s19  }
0x12: {  	s8 =	sor.u32 s8, s15;
	s21 =	sadd.s32 s3, s17;
	[dreg:$0x10] =	wrdreg s20  }
0x13: {  	s8 =	sshrl.u32 s8, $0x3;
	s22 =	sadd.s32 s4, s17;
	[dreg:$0x11] =	wrdreg s21  }
0x14: {  	s5 =	sadd.s32 s5, s8;
	[dreg:$0x12] =	wrdreg s22  }
0x15: {  	s31 =	simm.s32 $0x9400;
	s23 =	sadd.s32 s6, s17;
	[dreg:$0x13] =	wrdreg s5  }
0x16: {  	s24 =	sadd.s32 s7, s17;
	s28 =	sadd.s32 $0xA000, s12;
	[dreg:$0x14] =	wrdreg s23  }
0x17: {  	s29 =	sadd.s32 $0xC000, s12;
	s16 =	sadd.s32 $0x6000, s12;
	[dreg:$0x15] =	wrdreg s24  }
0x18: {  	s24 =	sor.u32 $0x1000, s25;
	s25 =	smax.u32 s11, $0x1;
	[dreg:$0xd] =	wrdreg s16  }
0x19: {  	s30 =	sadd.s32 $0xE000, s12;
	s26 =	sadd.s32 $0x8000, s12;
	[dreg:$0x16] =	wrdreg s25;
	v63 =	vpop (erf)  }
0x1a: {  	v0 =	vimm.f32 $0.0e+00;
	s8 =	simm.s32 $0x1;
	s5 =	simm.s32 $0x2;
	[dreg:$0x17] =	wrdreg s26;
	v9 =	vpop (erf)  }
.LBB2_1:
0x1b: {  	s11 =	simm.s32 $0x9420  }
0x1c: {  	[tilespmem:s11+$0xFFFFFFE0] =	vst v0  }
0x1d: {  	[tilespmem:s11+$0x10] =	vst v0  }
0x1e: {  	s13 =	simm.s32 $0x0;
	[tilespmem:s11+$0x0] =	vst v0  }
.LBB2_2:
0x1f: {  	s13 =	sadd.s32 $0x4, s13  }
0x20: {  	[tilespmem:s11+$0xFFFFFFF0] =	vst v0;
	s11 =	sadd.s32 $0x40, s11;
	p0 =	slt.u32 s13, $0x1FC  }
.Ltmp0:
0x21: {  	[tilespmem:s11+$0xFFFFFFE0] =	vst v0;
	(pc) =	sbr.rel @p0 .LBB2_2-.Ltmp0, $3  }
0x22: {  	_ =	sdelay $0x1  }
0x23: {  	[tilespmem:s11+$0x10] =	vst v0  }
0x24: {  	[tilespmem:s11+$0x0] =	vst v0  }
0x25: {  	[tilespmem:s11+$0xFFFFFFF0] =	vst v0  }
0x26: {  	[spmem:s12] =	stream.linear.scatter [tilespmem:s31], [sflag:$0x2], $0x2000, $0x38;
	[tilespmem:$0x1B400] =	vst v63  }
0x27: {  	_ =	swait.ge [sflag:s5], $0x2000  }
0x28: {  	[sflag:s5] =	ssyncset.done $0x0  }
0x29: {  	s21 =	rddreg [dreg:$0xb];
	[sflag:s5] =	ssyncadd.s32 $0xFFFFE000  }
0x2a: {  	[spmem:s21] =	stream.linear.scatter [tilespmem:s31], [sflag:$0x2], $0x2000, $0x38;
	[tilespmem:$0x1B400] =	vst v63  }
0x2b: {  	_ =	swait.ge [sflag:s5], $0x2000  }
0x2c: {  	[sflag:s5] =	ssyncset.done $0x0  }
0x2d: {  	s22 =	rddreg [dreg:$0xc];
	[sflag:s5] =	ssyncadd.s32 $0xFFFFE000  }
0x2e: {  	[spmem:s22] =	stream.linear.scatter [tilespmem:s31], [sflag:$0x2], $0x2000, $0x38;
	[tilespmem:$0x1B400] =	vst v63  }
0x2f: {  	_ =	swait.ge [sflag:s5], $0x2000  }
0x30: {  	[sflag:s5] =	ssyncset.done $0x0  }
0x31: {  	s23 =	rddreg [dreg:$0xd];
	[sflag:s5] =	ssyncadd.s32 $0xFFFFE000  }
0x32: {  	[spmem:s23] =	stream.linear.scatter [tilespmem:s31], [sflag:$0x2], $0x2000, $0x38;
	[tilespmem:$0x1B400] =	vst v63  }
0x33: {  	_ =	swait.ge [sflag:s5], $0x2000  }
0x34: {  	[sflag:s5] =	ssyncset.done $0x0  }
0x35: {  	s25 =	rddreg [dreg:$0x17];
	[sflag:s5] =	ssyncadd.s32 $0xFFFFE000  }
0x36: {  	[spmem:s25] =	stream.linear.scatter [tilespmem:s31], [sflag:$0x2], $0x2000, $0x38;
	[tilespmem:$0x1B400] =	vst v63  }
0x37: {  	_ =	swait.ge [sflag:s5], $0x2000  }
0x38: {  	[sflag:s5] =	ssyncset.done $0x0  }
0x39: {  	[sflag:s5] =	ssyncadd.s32 $0xFFFFE000  }
0x3a: {  	[spmem:s28] =	stream.linear.scatter [tilespmem:s31], [sflag:$0x2], $0x2000, $0x38;
	[tilespmem:$0x1B400] =	vst v63  }
0x3b: {  	_ =	swait.ge [sflag:s5], $0x2000  }
0x3c: {  	[sflag:s5] =	ssyncset.done $0x0  }
0x3d: {  	[sflag:s5] =	ssyncadd.s32 $0xFFFFE000  }
0x3e: {  	[spmem:s29] =	stream.linear.scatter [tilespmem:s31], [sflag:$0x2], $0x2000, $0x38;
	[tilespmem:$0x1B400] =	vst v63  }
0x3f: {  	_ =	swait.ge [sflag:s5], $0x2000  }
0x40: {  	[sflag:s5] =	ssyncset.done $0x0  }
0x41: {  	[sflag:s5] =	ssyncadd.s32 $0xFFFFE000  }
0x42: {  	[spmem:s30] =	stream.linear.scatter [tilespmem:s31], [sflag:$0x2], $0x2000, $0x38;
	[tilespmem:$0x1B400] =	vst v63  }
0x43: {  	_ =	swait.ge [sflag:s5], $0x2000  }
0x44: {  	[sflag:s5] =	ssyncset.done $0x0  }
0x45: {  	[sflag:s5] =	ssyncadd.s32 $0xFFFFE000  }
0x46: {  	s11 =	simm.s32 $0x0;
	s14 =	simm.s32 $0x9300;
	s13 =	rddreg [dreg:$0x7]  }
0x47: {  	[tilespmem:s14], [sflag:$0x2] =	stream.linear.gather [hbm4b:s13+s11], $0x100, $0x38;
	[tilespmem:$0x1B400] =	vst v63  }
0x48: {  	_ =	swait.ge [sflag:s5], $0x100  }
0x49: {  	[sflag:s5] =	ssyncset.done $0x0  }
0x4a: {  	[sflag:s5] =	ssyncadd.s32 $0xFFFFFF00  }
0x4b: {  	v6 =	vld [tilespmem:$0x9300]  }
0x4c: {  	v7 =	vld [tilespmem:$0x9310]  }
0x4d: {  	v10 =	vld [tilespmem:$0x9320]  }
0x4e: {  	v12 =	vld [tilespmem:$0x9330]  }
0x4f: {  	v8 =	vld [tilespmem:$0x9340]  }
0x50: {  	v11 =	vld [tilespmem:$0x9350]  }
0x51: {  	v60 =	vld [tilespmem:$0x9360]  }
0x52: {  	v61 =	vld [tilespmem:$0x9370]  }
0x53: {  	v50 =	vld [tilespmem:$0x9380]  }
0x54: {  	v2 =	vld [tilespmem:$0x93C0]  }
0x55: {  	v3 =	vld [tilespmem:$0x93D0];
	[bflag:$0x0] =	sbarrier.arrive $0xFFFF  }
0x56: {  	s26 =	rddreg [dreg:$0xe]  }
0x57: {  	[tilespmem:s11], [sflag:$0x1] =	stream.linear.gather [hbm4b:s26+s11], $0x1000, $0x38;
	[tilespmem:$0x1B400] =	vst v63  }
0x58: {  	s15 =	simm.s32 $0x1000;
	s14 =	rddreg [dreg:$0xf]  }
0x59: {  	[tilespmem:s15], [sflag:$0x1] =	stream.linear.gather [hbm4b:s14+s11], $0x1000, $0x38;
	[tilespmem:$0x1B400] =	vst v63  }
0x5a: {  	[tilespmem:$0x1FF70] =	vst v6  }
0x5b: {  	[tilespmem:$0x1FF80] =	vst v7  }
0x5c: {  	[tilespmem:$0x1FF90] =	vst v8  }
0x5d: {  	[tilespmem:$0x1FFA0] =	vst v12  }
0x5e: {  	s17 =	simm.s32 $0x2000;
	s16 =	rddreg [dreg:$0x10];
	[tilespmem:$0x1FFB0] =	vst v60  }
0x5f: {  	[tilespmem:s17], [sflag:$0x1] =	stream.linear.gather [hbm4b:s16+s11], $0x1000, $0x38;
	[tilespmem:$0x1B400] =	vst v63  }
0x60: {  	s19 =	simm.s32 $0x3000;
	s18 =	rddreg [dreg:$0x11];
	[tilespmem:$0x1FFC0] =	vst v61  }
0x61: {  	[tilespmem:s19], [sflag:$0x1] =	stream.linear.gather [hbm4b:s18+s11], $0x1000, $0x38;
	[tilespmem:$0x1B400] =	vst v63  }
0x62: {  	s21 =	simm.s32 $0x4000;
	s20 =	rddreg [dreg:$0x12];
	[tilespmem:$0x1FFD0] =	vst v50  }
0x63: {  	[tilespmem:s21], [sflag:$0x1] =	stream.linear.gather [hbm4b:s20+s11], $0x1000, $0x38;
	[tilespmem:$0x1B400] =	vst v63  }
0x64: {  	s23 =	simm.s32 $0x5000;
	s22 =	rddreg [dreg:$0x14];
	[tilespmem:$0x1FFE0] =	vst v3  }
0x65: {  	[tilespmem:s23], [sflag:$0x1] =	stream.linear.gather [hbm4b:s22+s11], $0x1000, $0x38;
	[tilespmem:$0x1B400] =	vst v63  }
0x66: {  	s25 =	rddreg [dreg:$0x15];
	s26 =	simm.s32 $0x6000;
	[tilespmem:$0x1FFF0] =	vst v2  }
0x67: {  	[tilespmem:s26], [sflag:$0x1] =	stream.linear.gather [hbm4b:s25+s11], $0x1000, $0x38;
	[tilespmem:$0x1B400] =	vst v63  }
.LBB2_4:
0x68: {  	_ =	swait.ge [sflag:s8], $0x1000  }
0x69: {  	[sflag:s8] =	ssyncset.done $0x0  }
0x6a: {  	[sflag:s8] =	ssyncadd.s32 $0xFFFFF000  }
0x6b: {  	_ =	swait.ge [sflag:s8], $0x1000  }
0x6c: {  	[sflag:s8] =	ssyncset.done $0x0  }
0x6d: {  	[sflag:s8] =	ssyncadd.s32 $0xFFFFF000  }
0x6e: {  	_ =	swait.ge [sflag:s8], $0x1000  }
0x6f: {  	[sflag:s8] =	ssyncset.done $0x0  }
0x70: {  	[sflag:s8] =	ssyncadd.s32 $0xFFFFF000  }
0x71: {  	_ =	swait.ge [sflag:s8], $0x1000  }
0x72: {  	[sflag:s8] =	ssyncset.done $0x0  }
0x73: {  	[sflag:s8] =	ssyncadd.s32 $0xFFFFF000  }
0x74: {  	_ =	swait.ge [sflag:s8], $0x1000  }
0x75: {  	[sflag:s8] =	ssyncset.done $0x0  }
0x76: {  	[sflag:s8] =	ssyncadd.s32 $0xFFFFF000  }
0x77: {  	_ =	swait.ge [sflag:s8], $0x1000  }
0x78: {  	[sflag:s8] =	ssyncset.done $0x0  }
0x79: {  	[sflag:s8] =	ssyncadd.s32 $0xFFFFF000  }
0x7a: {  	_ =	swait.ge [sflag:s8], $0x1000  }
0x7b: {  	[sflag:s8] =	ssyncset.done $0x0  }
0x7c: {  	[sflag:s8] =	ssyncadd.s32 $0xFFFFF000  }
0x7d: {  	v1 =	vimm.s32 $0x0;
	[tilespmem:$0x9180] =	vst v0  }
0x7e: {  	[tilespmem:$0x9000] =	vst v1  }
0x7f: {  	[tilespmem:$0x9190] =	vst v0  }
0x80: {  	[tilespmem:$0x9010] =	vst v1  }
0x81: {  	[tilespmem:$0x91A0] =	vst v0  }
0x82: {  	[tilespmem:$0x9020] =	vst v1  }
0x83: {  	[tilespmem:$0x91B0] =	vst v0  }
0x84: {  	[tilespmem:$0x9030] =	vst v1  }
0x85: {  	[tilespmem:$0x91C0] =	vst v0  }
0x86: {  	[tilespmem:$0x9040] =	vst v1  }
0x87: {  	[tilespmem:$0x91D0] =	vst v0  }
0x88: {  	[tilespmem:$0x9050] =	vst v1  }
0x89: {  	[tilespmem:$0x91E0] =	vst v0  }
0x8a: {  	[tilespmem:$0x9060] =	vst v1  }
0x8b: {  	[tilespmem:$0x91F0] =	vst v0  }
0x8c: {  	[tilespmem:$0x9070] =	vst v1  }
0x8d: {  	[tilespmem:$0x9200] =	vst v0  }
0x8e: {  	[tilespmem:$0x9080] =	vst v1  }
0x8f: {  	[tilespmem:$0x9210] =	vst v0  }
0x90: {  	[tilespmem:$0x9090] =	vst v1  }
0x91: {  	[tilespmem:$0x9220] =	vst v0  }
0x92: {  	[tilespmem:$0x90A0] =	vst v1  }
0x93: {  	[tilespmem:$0x9230] =	vst v0  }
0x94: {  	[tilespmem:$0x90B0] =	vst v1  }
0x95: {  	[tilespmem:$0x9240] =	vst v0  }
0x96: {  	[tilespmem:$0x90C0] =	vst v1  }
0x97: {  	[tilespmem:$0x9250] =	vst v0  }
0x98: {  	[tilespmem:$0x90D0] =	vst v1  }
0x99: {  	[tilespmem:$0x9260] =	vst v0  }
0x9a: {  	[tilespmem:$0x90E0] =	vst v1  }
0x9b: {  	[tilespmem:$0x9270] =	vst v0  }
0x9c: {  	[tilespmem:$0x90F0] =	vst v1  }
0x9d: {  	[tilespmem:$0x9280] =	vst v0  }
0x9e: {  	s13 =	simm.s32 $0x2020;
	[tilespmem:$0x9100] =	vst v1  }
0x9f: {  	s14 =	simm.s32 $0x20;
	v15 =	vld [tilespmem:s13+$0x10]  }
0xa0: {  	s15 =	simm.s32 $0x1020;
	v16 =	vld [tilespmem:s14+$0x10]  }
0xa1: {  	v17 =	vld [tilespmem:s15+$0x10];
	_ =	sdelay $0x1  }
0xa2: {  	v18 =	vld [tilespmem:s13+$0x0]  }
0xa3: {  	v19 =	vld [tilespmem:s14+$0x0];
	v20 =	vmul.f32 v15, v10;
	v21 =	vmul.f32 v15, v11  }
0xa4: {  	v22 =	vld [tilespmem:s15+$0x0];
	v23 =	vmul.f32 v16, v6;
	v24 =	vmul.f32 v15, v50  }
0xa5: {  	v15 =	vmul.f32 v17, v7;
	v25 =	vmul.f32 v16, v12  }
0xa6: {  	v26 =	vld [tilespmem:s14+$0xFFFFFFF0];
	v27 =	vmul.f32 v17, v8;
	v16 =	vmul.f32 v16, v60  }
0xa7: {  	v28 =	vld [tilespmem:s15+$0xFFFFFFF0];
	v29 =	vmul.f32 v18, v10;
	v17 =	vmul.f32 v17, v61  }
0xa8: {  	v30 =	vmul.f32 v18, v11;
	v18 =	vmul.f32 v18, v50  }
0xa9: {  	v31 =	vld [tilespmem:s14+$0xFFFFFFE0];
	v32 =	vmul.f32 v19, v6;
	v33 =	vmul.f32 v22, v7  }
0xaa: {  	v34 =	vld [tilespmem:s15+$0xFFFFFFE0];
	v35 =	vmul.f32 v19, v12;
	v36 =	vmul.f32 v22, v8  }
0xab: {  	v19 =	vmul.f32 v19, v60;
	v22 =	vmul.f32 v22, v61  }
0xac: {  	v37 =	vmul.f32 v26, v6;
	v38 =	vmul.f32 v28, v7  }
0xad: {  	v39 =	vmul.f32 v26, v12;
	v40 =	vmul.f32 v28, v8  }
0xae: {  	v26 =	vmul.f32 v26, v60;
	v28 =	vmul.f32 v28, v61  }
0xaf: {  	v43 =	vld [tilespmem:s13+$0xFFFFFFF0];
	v41 =	vmul.f32 v31, v6;
	v42 =	vmul.f32 v34, v7;
	v15 =	vadd.f32 v15, v23  }
0xb0: {  	v23 =	vmul.f32 v31, v12;
	v25 =	vadd.f32 v27, v25;
	v17 =	vadd.f32 v17, v16  }
0xb1: {  	v16 =	vmul.f32 v34, v8;
	v27 =	vadd.f32 v33, v32;
	v1 =	vadd.f32 v36, v35  }
0xb2: {  	v44 =	vld [tilespmem:s13+$0xFFFFFFE0];
	v31 =	vmul.f32 v31, v60;
	v45 =	vadd.f32 v38, v37;
	v22 =	vadd.f32 v22, v19  }
0xb3: {  	v19 =	vmul.f32 v34, v61;
	v46 =	vadd.f32 v40, v39;
	v26 =	vadd.f32 v28, v26  }
0xb4: {  	v47 =	vmul.f32 v43, v10;
	v28 =	vadd.f32 v42, v41;
	v23 =	vadd.f32 v16, v23  }
0xb5: {  	v48 =	vmul.f32 v43, v11;
	v31 =	vadd.f32 v19, v31;
	v15 =	vadd.f32 v20, v15  }
0xb6: {  	v49 =	vmul.f32 v43, v50;
	v16 =	vadd.f32 v21, v25;
	v25 =	vadd.f32 v24, v17  }
0xb7: {  	v21 =	vmul.f32 v44, v10;
	v19 =	vadd.f32 v29, v27;
	v17 =	vadd.f32 v30, v1  }
0xb8: {  	v27 =	vmul.f32 v44, v11;
	v20 =	vadd.f32 v47, v45;
	v29 =	vadd.f32 v18, v22  }
0xb9: {  	v22 =	vmul.f32 v44, v50;
	v18 =	vadd.f32 v48, v46;
	v26 =	vadd.f32 v49, v26  }
0xba: {  	s23 =	simm.s32 $0x3020;
	v24 =	vadd.f32 v21, v28;
	v21 =	vadd.f32 v27, v23  }
0xbb: {  	s25 =	simm.s32 $0x4020;
	v34 =	vld [tilespmem:s23+$0x10];
	v28 =	vadd.f32 v22, v31;
	v22 =	vadd.f32 $5.000000000e+02, v25  }
0xbc: {  	s22 =	simm.s32 $0x5020;
	v40 =	vld [tilespmem:s25+$0x10];
	v30 =	vmul.f32 v15, v15;
	v23 =	vadd.f32 $5.000000000e+02, v29;
	v29 =	vmul.f32 v19, v19  }
0xbd: {  	v45 =	vld [tilespmem:s22+$0x0];
	v31 =	vmul.f32 v16, v16;
	v25 =	vadd.f32 $5.000000000e+02, v26;
	v50 =	vmul.f32 v20, v20  }
0xbe: {  	v51 =	vmul.f32 v17, v17;
	v52 =	vmul.f32 v18, v18;
	v26 =	vadd.f32 $5.000000000e+02, v28  }
0xbf: {  	v28 =	vmul.f32 v24, v24;
	v53 =	vmul.f32 v21, v21;
	v30 =	vadd.f32 v31, v30  }
0xc0: {  	v27 =	vld [tilespmem:s22+$0x10];
	v31 =	vmul.f32 v22, v22;
	v32 =	vadd.f32 v52, v50;
	v54 =	vmul.f32 v23, v23  }
0xc1: {  	v29 =	vadd.f32 v51, v29;
	v57 =	vmul.f32 v25, v25;
	v50 =	vmul.f32 v40, v7  }
0xc2: {  	v51 =	vmul.f32 v34, v12;
	v52 =	vmul.f32 v45, v10;
	v55 =	vadd.f32 v53, v28  }
0xc3: {  	v56 =	vmul.f32 v26, v26;
	v33 =	vadd.f32 v54, v29;
	v30 =	vadd.f32 v31, v30  }
0xc4: {  	v31 =	vmul.f32 v34, v6;
	v32 =	vadd.f32 v57, v32;
	v53 =	vmul.f32 v40, v8  }
0xc5: {  	v28 =	vmul.f32 v27, v10;
	v35 =	vadd.f32 v56, v55;
	v30 =	vmax.f32 v30, $9.999999960e-13  }
0xc6: {  	v33 =	vmax.f32 v33, $9.999999960e-13;
	v32 =	vmax.f32 v32, $9.999999960e-13;
	v58 =	vshrl.u32 v30, $0x1  }
0xc7: {  	v59 =	vshrl.u32 v33, $0x1;
	v38 =	vmul.f32 $5.000000000e-01, v33;
	v39 =	vmul.f32 $5.000000000e-01, v30  }
0xc8: {  	v60 =	vshrl.u32 v32, $0x1;
	v61 =	vmul.f32 $5.000000000e-01, v32;
	v35 =	vmax.f32 v35, $9.999999960e-13  }
0xc9: {  	v36 =	vsub.s32 $0x5F3759DF, v58;
	v37 =	vsub.s32 $0x5F3759DF, v59;
	v41 =	vsub.s32 $0x5F3759DF, v60  }
0xca: {  	v62 =	vshrl.u32 v35, $0x1;
	v44 =	vmul.f32 v36, v39;
	v46 =	vmul.f32 $5.000000000e-01, v35  }
0xcb: {  	v54 =	vld [tilespmem:s25+$0x0];
	v47 =	vmul.f32 v37, v38;
	v48 =	vmul.f32 v41, v61;
	v43 =	vsub.s32 $0x5F3759DF, v62  }
0xcc: {  	v44 =	vmul.f32 v36, v44;
	v49 =	vmul.f32 v43, v46  }
0xcd: {  	v47 =	vmul.f32 v37, v47;
	v48 =	vmul.f32 v41, v48  }
0xce: {  	v29 =	vmul.f32 v27, v11;
	v44 =	vsub.f32 $1.500000000e+00, v44;
	v49 =	vmul.f32 v43, v49  }
0xcf: {  	v58 =	vmul.f32 v45, v11;
	v47 =	vsub.f32 $1.500000000e+00, v47;
	v48 =	vsub.f32 $1.500000000e+00, v48  }
0xd0: {  	v60 =	vmul.f32 v54, v8;
	v36 =	vmul.f32 v36, v44;
	v44 =	vld [tilespmem:s22+$0xFFFFFFF0];
	v49 =	vsub.f32 $1.500000000e+00, v49  }
0xd1: {  	v37 =	vmul.f32 v37, v47;
	v41 =	vmul.f32 v41, v48;
	v48 =	vld [tilespmem:s23+$0x0]  }
0xd2: {  	v0 =	vmul.f32 v36, v39;
	v43 =	vmul.f32 v43, v49  }
0xd3: {  	v1 =	vmul.f32 v37, v38;
	v55 =	vmul.f32 v41, v61  }
0xd4: {  	v47 =	vmul.f32 v0, v36;
	v56 =	vmul.f32 v43, v46  }
0xd5: {  	v31 =	vadd.f32 v50, v31;
	v49 =	vmul.f32 v1, v37;
	v55 =	vmul.f32 v55, v41;
	v1 =	vld [tilespmem:$0x1FFB0]  }
0xd6: {  	v57 =	vmul.f32 v44, v10;
	v59 =	vmul.f32 v48, v6;
	v47 =	vsub.f32 $1.500000000e+00, v47  }
0xd7: {  	v50 =	vld [tilespmem:$0x1FFB0];
	v56 =	vmul.f32 v56, v43;
	v49 =	vsub.f32 $1.500000000e+00, v49;
	v55 =	vsub.f32 $1.500000000e+00, v55  }
0xd8: {  	v36 =	vmul.f32 v47, v36;
	v47 =	vmul.f32 v54, v7  }
0xd9: {  	v56 =	vsub.f32 $1.500000000e+00, v56;
	v37 =	vmul.f32 v49, v37;
	v41 =	vmul.f32 v55, v41  }
0xda: {  	v49 =	vld [tilespmem:s23+$0xFFFFFFF0];
	v34 =	vmul.f32 v34, v1;
	v39 =	vmul.f32 v36, v39  }
0xdb: {  	v1 =	vld [tilespmem:$0x1FFC0];
	v43 =	vmul.f32 v56, v43;
	v38 =	vmul.f32 v37, v38  }
0xdc: {  	v56 =	vmul.f32 v48, v12;
	v48 =	vmul.f32 v48, v50;
	v50 =	vld [tilespmem:$0x1FFC0]  }
0xdd: {  	v42 =	vmul.f32 v41, v61;
	v39 =	vmul.f32 v39, v36  }
0xde: {  	v55 =	vld [tilespmem:s25+$0xFFFFFFF0];
	v38 =	vmul.f32 v38, v37;
	v46 =	vmul.f32 v43, v46  }
0xdf: {  	v51 =	vadd.f32 v53, v51;
	v53 =	vld [tilespmem:$0x1FFB0];
	v42 =	vmul.f32 v42, v41;
	v61 =	vmul.f32 v49, v6  }
0xe0: {  	v39 =	vsub.f32 $1.500000000e+00, v39;
	v38 =	vsub.f32 $1.500000000e+00, v38;
	v46 =	vmul.f32 v46, v43  }
0xe1: {  	v62 =	vld [tilespmem:s23+$0xFFFFFFE0];
	v42 =	vsub.f32 $1.500000000e+00, v42;
	v40 =	vmul.f32 v40, v1;
	v50 =	vmul.f32 v54, v50  }
0xe2: {  	v36 =	vmul.f32 v39, v36;
	v37 =	vmul.f32 v38, v37  }
0xe3: {  	v54 =	vld [tilespmem:$0x1FFC0];
	v38 =	vmul.f32 v55, v7;
	v41 =	vmul.f32 v42, v41;
	v46 =	vsub.f32 $1.500000000e+00, v46  }
0xe4: {  	v47 =	vadd.f32 v47, v59;
	v59 =	vld [tilespmem:$0x1FFB0];
	v42 =	vmul.f32 v49, v12;
	v49 =	vmul.f32 v49, v53  }
0xe5: {  	v0 =	vadd.f32 v60, v56;
	v56 =	vld [tilespmem:s22+$0xFFFFFFE0];
	v30 =	vmul.f32 v36, v30;
	v43 =	vmul.f32 v46, v43  }
0xe6: {  	v39 =	vld [tilespmem:s25+$0xFFFFFFE0];
	v46 =	vmul.f32 v62, v6;
	v33 =	vmul.f32 v37, v33  }
0xe7: {  	v32 =	vmul.f32 v41, v32;
	v41 =	vmul.f32 v62, v12  }
0xe8: {  	v28 =	vadd.f32 v28, v31;
	v30 =	vmul.f32 v30, v63;
	v53 =	vmul.f32 v55, v54  }
0xe9: {  	v29 =	vadd.f32 v29, v51;
	v33 =	vmul.f32 v33, v63;
	v54 =	vmul.f32 v62, v59;
	v62 =	vld [tilespmem:$0x1FFC0]  }
0xea: {  	v31 =	vmul.f32 v56, v11;
	v35 =	vmul.f32 v43, v35;
	v30 =	vadd.f32 $1.000000000e+00, v30  }
0xeb: {  	v32 =	vmul.f32 v32, v63;
	v37 =	vmul.f32 v39, v7;
	v33 =	vadd.f32 $1.000000000e+00, v33  }
0xec: {  	v48 =	vadd.f32 v50, v48;
	v43 =	vmul.f32 v39, v8;
	(erf) = vrcp.f32 v30  }
0xed: {  	v50 =	vadd.f32 v52, v47;
	v52 =	vld [tilespmem:$0x1FFD0];
	v35 =	vmul.f32 v35, v63;
	(erf) = vrcp.f32 v33  }
0xee: {  	v32 =	vadd.f32 $1.000000000e+00, v32;
	v39 =	vmul.f32 v39, v62;
	v62 =	vadd.f32 v43, v41  }
0xef: {  	v51 =	vadd.f32 v58, v0;
	v36 =	vmul.f32 v55, v8;
	v55 =	vld [tilespmem:$0x1FFD0];
	v30 =	vadd.f32 $1.000000000e+00, v35  }
0xf0: {  	v1 =	vadd.f32 v38, v61;
	(erf) = vrcp.f32 v32;
	v31 =	vadd.f32 v31, v62;
	v62 =	vld [tilespmem:$0x1FFD0]  }
0xf1: {  	v59 =	vadd.f32 v37, v46;
	v46 =	vadd.f32 v53, v49;
	v53 =	vld [tilespmem:$0x1FFD0];
	(erf) = vrcp.f32 v30  }
0xf2: {  	v34 =	vadd.f32 v40, v34;
	v27 =	vmul.f32 v27, v52;
	v49 =	vmul.f32 v56, v10  }
0xf3: {  	v36 =	vadd.f32 v36, v42;
	v35 =	vadd.f32 v57, v1  }
0xf4: {  	s14 =	simm.s32 $0x60;
	v27 =	vadd.f32 v27, v34;
	v33 =	vadd.f32 v49, v59;
	v57 =	vmul.f32 v44, v55  }
0xf5: {  	v30 =	vmul.f32 v44, v11;
	v39 =	vadd.f32 v39, v54;
	v0 =	vmul.f32 v56, v62;
	v56 =	vld [tilespmem:s14+$0xFFFFFFF0];
	v58 =	vpop (erf)  }
0xf6: {  	v60 =	vld [tilespmem:$0x1FFB0];
	v32 =	vadd.f32 v57, v46;
	v54 =	vmul.f32 v45, v53;
	v34 =	vadd.f32 $-6.000000240e-01, v58;
	v59 =	vpop (erf)  }
0xf7: {  	v30 =	vadd.f32 v30, v36;
	v1 =	vadd.f32 $-6.000000240e-01, v59  }
0xf8: {  	v36 =	vadd.f32 v54, v48;
	v28 =	vmul.f32 v34, v28;
	v29 =	vmul.f32 v34, v29  }
0xf9: {  	v39 =	vadd.f32 v0, v39;
	v44 =	vpop (erf);
	v27 =	vmul.f32 v34, v27;
	v41 =	vmul.f32 v1, v50  }
0xfa: {  	v38 =	vadd.f32 $-6.000000240e-01, v44;
	v45 =	vpop (erf);
	v42 =	vmul.f32 v1, v51;
	v0 =	vmul.f32 v56, v6  }
0xfb: {  	v43 =	vadd.f32 $-6.000000240e-01, v45;
	v57 =	vmul.f32 v56, v12;
	v37 =	vmul.f32 v56, v60  }
0xfc: {  	s15 =	simm.s32 $0x1060;
	v35 =	vmul.f32 v38, v35;
	v30 =	vmul.f32 v38, v30;
	v15 =	vadd.f32 v28, v15  }
0xfd: {  	v59 =	vld [tilespmem:s15+$0xFFFFFFF0];
	v16 =	vadd.f32 v29, v16;
	v28 =	vmul.f32 v1, v36;
	v29 =	vmul.f32 v38, v32  }
0xfe: {  	v61 =	vld [tilespmem:$0x1FFC0];
	v22 =	vadd.f32 v27, v22;
	v33 =	vmul.f32 v43, v33;
	v19 =	vadd.f32 v41, v19  }
0xff: {  	v31 =	vmul.f32 v43, v31;
	v17 =	vadd.f32 v42, v17;
	v20 =	vadd.f32 v35, v20  }
0x100: {  	v18 =	vadd.f32 v30, v18;
	v30 =	vmul.f32 v43, v39;
	v25 =	vadd.f32 v29, v25  }
0x101: {  	v23 =	vadd.f32 v28, v23;
	v27 =	vmul.f32 v15, v15;
	v28 =	vmul.f32 v22, v22  }
0x102: {  	vm1 =	vgt.f32 v22, $1.000000050e-03;
	v1 =	vmul.f32 v59, v7;
	v58 =	vmul.f32 v59, v8  }
0x103: {  	v45 =	vld [tilespmem:s15+$0xFFFFFFE0];
	v39 =	vmul.f32 v59, v61;
	v24 =	vadd.f32 v33, v24;
	v21 =	vadd.f32 v31, v21  }
0x104: {  	v31 =	vmax.f32 v22, $1.000000050e-03;
	v46 =	vmul.f32 v19, v19;
	v29 =	vmul.f32 v23, v23  }
0x105: {  	v26 =	vadd.f32 v30, v26;
	v30 =	vmul.f32 v16, v16;
	(erf) = vrcp.f32 v31  }
0x106: {  	v47 =	vmax.f32 v23, $1.000000050e-03;
	v31 =	vmul.f32 v17, v17;
	v49 =	vmul.f32 v20, v20  }
0x107: {  	v48 =	vmax.f32 v25, $1.000000050e-03;
	v51 =	vmul.f32 v18, v18;
	v53 =	vmul.f32 v25, v25  }
0x108: {  	v42 =	vld [tilespmem:s14+$0xFFFFFFE0];
	vm3 =	vgt.f32 v23, $1.000000050e-03;
	v59 =	vmul.f32 v45, v7;
	(erf) = vrcp.f32 v47  }
0x109: {  	v57 =	vadd.f32 v58, v57;
	v22 =	vmul.f32 v24, v24;
	v52 =	vmul.f32 v21, v21  }
0x10a: {  	v50 =	vmax.f32 v26, $1.000000050e-03;
	(erf) = vrcp.f32 v48;
	v31 =	vadd.f32 v31, v46  }
0x10b: {  	v27 =	vadd.f32 v30, v27;
	v30 =	vmul.f32 v26, v26;
	v22 =	vadd.f32 v52, v22  }
0x10c: {  	v37 =	vadd.f32 v39, v37;
	v54 =	vadd.f32 v51, v49;
	(erf) = vrcp.f32 v50  }
0x10d: {  	v52 =	vmul.f32 v42, v6;
	v23 =	vadd.f32 v31, v29;
	v22 =	vadd.f32 v22, v30;
	v30 =	vld [tilespmem:s15+$0x0]  }
0x10e: {  	vm0 =	vgt.f32 v25, $1.000000050e-03;
	v27 =	vadd.f32 v27, v28;
	v25 =	vadd.f32 v54, v53  }
0x10f: {  	vm2 =	vgt.f32 v26, $1.000000050e-03;
	v54 =	vmul.f32 v42, v12;
	v59 =	vadd.f32 v59, v52  }
0x110: {  	vm5 =	vge.f32 v23, v2;
	vm4 =	vge.f32 v27, v2;
	vm6 =	vge.f32 v25, v2;
	v26 =	vpop (erf)  }
0x111: {  	vm7 =	vlt.f32 v25, v3;
	v16 =	vmul.f32 v26, v16;
	v15 =	vmul.f32 v26, v15  }
0x112: {  	vm8 =	vlt.f32 v23, v3;
	v23 =	vpop (erf);
	v44 =	vmul.f32 v30, v7;
	v62 =	vmul.f32 v30, v8  }
0x113: {  	vm9 =	vge.f32 v22, v2;
	v30 =	vmul.f32 v30, v61;
	v17 =	vmul.f32 v23, v17;
	v25 =	vpop (erf)  }
0x114: {  	vm10 =	vlt.f32 v22, v3;
	v19 =	vmul.f32 v23, v19;
	v18 =	vmul.f32 v25, v18  }
0x115: {  	vm5 =	vmand vm5, vm8;
	v22 =	vpop (erf);
	v20 =	vmul.f32 v25, v20;
	v16 =	vmul.f32 v16, v9  }
0x116: {  	s13 =	simm.s32 $0x2060;
	vm6 =	vmand vm6, vm7;
	v15 =	vmul.f32 v15, v9;
	v21 =	vmul.f32 v22, v21  }
0x117: {  	vm7 =	vmand vm9, vm10;
	v25 =	vld [tilespmem:s13+$0x0];
	v22 =	vmul.f32 v22, v24;
	v17 =	vmul.f32 v17, v9  }
0x118: {  	v58 =	vld [tilespmem:$0x1FFD0];
	vm3 =	vmand vm3, vm5;
	v19 =	vmul.f32 v19, v9;
	v18 =	vmul.f32 v18, v9  }
0x119: {  	v15 =	vadd.f32 $5.000000000e-01, v15;
	v16 =	vadd.f32 $5.000000000e-01, v16;
	v20 =	vmul.f32 v20, v9  }
0x11a: {  	v24 =	vld [tilespmem:s15+$0x10];
	v21 =	vmul.f32 v21, v9;
	v17 =	vadd.f32 $5.000000000e-01, v17;
	v22 =	vmul.f32 v22, v9  }
0x11b: {  	v18 =	vadd.f32 $5.000000000e-01, v18;
	v15 =	vmul.f32 $1.024000000e+03, v15;
	v16 =	vmul.f32 $1.024000000e+03, v16  }
0x11c: {  	v23 =	vadd.f32 $5.000000000e-01, v19;
	v40 =	vmul.f32 v25, v10;
	v41 =	vmul.f32 v25, v11  }
0x11d: {  	v20 =	vadd.f32 $5.000000000e-01, v20;
	v25 =	vmul.f32 v25, v58;
	v19 =	vmul.f32 $1.024000000e+03, v18  }
0x11e: {  	v21 =	vadd.f32 $5.000000000e-01, v21;
	v18 =	vmul.f32 $1.024000000e+03, v17;
	v17 =	vmul.f32 $1.024000000e+03, v23  }
0x11f: {  	v22 =	vadd.f32 $5.000000000e-01, v22;
	v20 =	vmul.f32 $1.024000000e+03, v20;
	v32 =	vmul.f32 v24, v7  }
0x120: {  	vm0 =	vmand vm0, vm6;
	v38 =	vmul.f32 v24, v8;
	v24 =	vmul.f32 v24, v61  }
0x121: {  	vm2 =	vmand vm2, vm7;
	v21 =	vmul.f32 $1.024000000e+03, v21;
	v36 =	vmul.f32 $1.024000000e+03, v22  }
0x122: {  	vm5 =	vlt.f32 v18, $1.024000000e+03;
	vm6 =	vlt.f32 v19, $1.024000000e+03;
	vm7 =	vge.f32 v18, $0.0e+00  }
0x123: {  	vm9 =	vge.f32 v19, $0.0e+00;
	vm10 =	vlt.f32 v17, $1.024000000e+03;
	vm14 =	vge.f32 v20, $0.0e+00  }
0x124: {  	vm8 =	vlt.f32 v20, $1.024000000e+03;
	v19 =	vmax.f32 v19, $0.0e+00;
	v20 =	vmax.f32 v20, $0.0e+00  }
0x125: {  	v18 =	vmax.f32 v18, $0.0e+00;
	vm12 =	vge.f32 v36, $0.0e+00;
	vm13 =	vlt.f32 v36, $1.024000000e+03  }
0x126: {  	v23 =	vld [tilespmem:s14+$0x10];
	vm11 =	vlt.f32 v21, $1.024000000e+03;
	vm0 =	vmand vm0, vm14;
	v19 =	vmin.f32 v19, $1.023000000e+03  }
0x127: {  	v20 =	vmin.f32 v20, $1.023000000e+03;
	v18 =	vmin.f32 v18, $1.023000000e+03;
	vm2 =	vmand vm2, vm12  }
0x128: {  	vm12 =	vge.f32 v17, $0.0e+00;
	vm0 =	vmand vm8, vm0;
	v19 =	vtrunc.f32 v19  }
0x129: {  	v22 =	vld [tilespmem:s13+$0x10];
	v20 =	vtrunc.f32 v20;
	v17 =	vmax.f32 v17, $0.0e+00;
	v18 =	vtrunc.f32 v18  }
0x12a: {  	v55 =	vld [tilespmem:$0x1FFD0];
	vm2 =	vmand vm13, vm2;
	vm13 =	vge.f32 v21, $0.0e+00;
	vm3 =	vmand vm3, vm12  }
0x12b: {  	vm0 =	vmand vm9, vm0;
	v31 =	vmul.f32 v23, v6;
	v33 =	vmul.f32 v23, v12  }
0x12c: {  	v23 =	vmul.f32 v23, v60;
	v21 =	vmax.f32 v21, $0.0e+00;
	v19 =	vcvt.f32.s32 v19  }
0x12d: {  	v20 =	vcvt.f32.s32 v20;
	v17 =	vmin.f32 v17, $1.023000000e+03;
	v18 =	vcvt.f32.s32 v18  }
0x12e: {  	vm2 =	vmand vm13, vm2;
	vm15 =	vmand vm10, vm3;
	v28 =	vmul.f32 v22, v10  }
0x12f: {  	v29 =	vmul.f32 v22, v11;
	v22 =	vmul.f32 v22, v55;
	v55 =	vadd.f32 v1, v0  }
0x130: {  	v17 =	vtrunc.f32 v17;
	vm3 =	vmand vm11, vm2;
	vm2 =	vmand vm6, vm0  }
0x131: {  	vm0 =	vmand vm7, vm15;
	vm6 =	vge.f32 v15, $0.0e+00;
	v31 =	vadd.f32 v32, v31  }
0x132: {  	v38 =	vadd.f32 v38, v33;
	v23 =	vadd.f32 v24, v23;
	v24 =	vmul.f32 v45, v8  }
0x133: {  	v19 =	vshll.u32 v19, $0xA;
	v17 =	vcvt.f32.s32 v17;
	v35 =	vmpcnt.ones.xlane vm3  }
0x134: {  	v34 =	vmpcnt.ones.xlane vm2;
	vm0 =	vmand vm5, vm0;
	vm5 =	vlt.f32 v27, v3;
	v27 =	vld [tilespmem:s14+$0x0]  }
0x135: {  	v32 =	vld [tilespmem:s13+$0xFFFFFFF0];
	v26 =	vmpcnt.ones.xlane vm0;
	vm4 =	vmand vm4, vm5;
	vm5 =	vlt.f32 v16, $1.024000000e+03  }
0x136: {  	v24 =	vadd.f32 v24, v54;
	v33 =	vadd.f32 v28, v31;
	vm1 =	vmand vm1, vm4  }
0x137: {  	vm4 =	vlt.f32 v15, $1.024000000e+03;
	v15 =	vmax.f32 v15, $0.0e+00;
	vm1 =	vmand vm1, vm6  }
0x138: {  	v22 =	vadd.f32 v22, v23;
	v15 =	vmin.f32 v15, $1.023000000e+03;
	vm1 =	vmand vm4, vm1  }
0x139: {  	vm4 =	vge.f32 v16, $0.0e+00;
	v43 =	vmul.f32 v27, v6;
	v46 =	vmul.f32 v27, v12  }
0x13a: {  	v52 =	vmul.f32 v32, v11;
	v16 =	vmax.f32 v16, $0.0e+00;
	v27 =	vmul.f32 v27, v60  }
0x13b: {  	v53 =	vld [tilespmem:$0x1FFD0];
	v15 =	vtrunc.f32 v15;
	v43 =	vadd.f32 v44, v43;
	v44 =	vadd.f32 v62, v46  }
0x13c: {  	v62 =	vmul.f32 v42, v60;
	v56 =	vadd.f32 v30, v27;
	v27 =	vmul.f32 v45, v61  }
0x13d: {  	vm1 =	vmand vm4, vm1;
	v16 =	vmin.f32 v16, $1.023000000e+03;
	v15 =	vcvt.f32.s32 v15  }
0x13e: {  	vm1 =	vmand vm5, vm1;
	v30 =	vmul.f32 v32, v10;
	v62 =	vadd.f32 v27, v62  }
0x13f: {  	v16 =	vtrunc.f32 v16;
	v27 =	vadd.f32 v29, v38;
	v31 =	vadd.f32 v40, v43  }
0x140: {  	v46 =	vld [tilespmem:s13+$0xFFFFFFE0];
	v32 =	vmul.f32 v32, v53;
	v28 =	vadd.f32 v41, v44;
	v30 =	vadd.f32 v30, v55  }
0x141: {  	v16 =	vcvt.f32.s32 v16;
	v25 =	vadd.f32 v25, v56;
	v55 =	vld [tilespmem:$0x1FFD0];
	v29 =	vadd.f32 v52, v57  }
0x142: {  	v41 =	vmpcnt.ones.xlane vm1;
	v37 =	vadd.f32 v32, v37;
	v57 =	vmin.f32 v21, $1.023000000e+03  }
0x143: {  	v21 =	vadd.f32 $5.000000000e+02, v22;
	v39 =	vtrunc.f32 v57;
	v0 =	vmul.f32 v27, v27  }
0x144: {  	v43 =	vmax.f32 v36, $0.0e+00;
	v1 =	vmul.f32 v30, v30;
	v50 =	vmul.f32 v29, v29  }
0x145: {  	v22 =	vadd.f32 $5.000000000e+02, v25;
	v23 =	vmul.f32 v46, v10;
	v54 =	vmul.f32 v46, v11  }
0x146: {  	v48 =	vmul.f32 v28, v28;
	v38 =	vadd.f32 v50, v1;
	v56 =	vmul.f32 v46, v55  }
0x147: {  	v32 =	vadd.f32 v23, v59;
	v23 =	vadd.f32 v54, v24;
	v59 =	vmul.f32 v33, v33  }
0x148: {  	v53 =	vmul.f32 v21, v21;
	v24 =	vadd.f32 $5.000000000e+02, v37;
	v58 =	vadd.f32 v56, v62  }
0x149: {  	v62 =	vmul.f32 v31, v31;
	v49 =	vmul.f32 v32, v32;
	v40 =	vadd.f32 v0, v59  }
0x14a: {  	v51 =	vmul.f32 v23, v23;
	v55 =	vmul.f32 v24, v24;
	v25 =	vadd.f32 $5.000000000e+02, v58  }
0x14b: {  	v52 =	vmul.f32 v22, v22;
	v37 =	vadd.f32 v48, v62;
	v40 =	vadd.f32 v53, v40  }
0x14c: {  	v39 =	vcvt.f32.s32 v39;
	v45 =	vadd.f32 v51, v49;
	v57 =	vadd.f32 v55, v38  }
0x14d: {  	v54 =	vmul.f32 v25, v25;
	v37 =	vadd.f32 v52, v37;
	v38 =	vmax.f32 v40, $9.999999960e-13  }
0x14e: {  	v42 =	vmax.f32 v57, $9.999999960e-13;
	v58 =	vshrl.u32 v38, $0x1;
	v46 =	vmul.f32 $5.000000000e-01, v38  }
0x14f: {  	v62 =	vshrl.u32 v42, $0x1;
	v48 =	vmul.f32 $5.000000000e-01, v42;
	v56 =	vadd.f32 v54, v45  }
0x150: {  	v37 =	vmax.f32 v37, $9.999999960e-13;
	v0 =	vsub.s32 $0x5F3759DF, v58;
	v47 =	vsub.s32 $0x5F3759DF, v62  }
0x151: {  	v59 =	vshrl.u32 v37, $0x1;
	v45 =	vmul.f32 $5.000000000e-01, v37;
	v1 =	vmul.f32 v0, v46  }
0x152: {  	v40 =	vmax.f32 v56, $9.999999960e-13;
	v44 =	vsub.s32 $0x5F3759DF, v59;
	v59 =	vmul.f32 v47, v48  }
0x153: {  	s18 =	simm.s32 $0x5060;
	v57 =	vmul.f32 v44, v45;
	v58 =	vshrl.u32 v40, $0x1;
	v53 =	vmul.f32 $5.000000000e-01, v40  }
0x154: {  	v36 =	vld [tilespmem:s18+$0x10];
	v50 =	vmul.f32 v0, v1;
	v52 =	vsub.s32 $0x5F3759DF, v58;
	v54 =	vmul.f32 v47, v59  }
0x155: {  	v43 =	vmin.f32 v43, $1.023000000e+03;
	v51 =	vmul.f32 v44, v57;
	v62 =	vmul.f32 v52, v53  }
0x156: {  	v43 =	vtrunc.f32 v43;
	v50 =	vsub.f32 $1.500000000e+00, v50;
	v54 =	vsub.f32 $1.500000000e+00, v54  }
0x157: {  	s16 =	simm.s32 $0x3060;
	v43 =	vcvt.f32.s32 v43;
	v51 =	vsub.f32 $1.500000000e+00, v51;
	v55 =	vmul.f32 v52, v62  }
0x158: {  	v18 =	vshll.u32 v18, $0xA;
	v49 =	vmul.f32 v0, v50;
	v50 =	vld [tilespmem:s16+$0x10];
	v47 =	vmul.f32 v47, v54  }
0x159: {  	s17 =	simm.s32 $0x4060;
	v44 =	vmul.f32 v44, v51;
	v51 =	vmul.f32 v36, v10;
	v55 =	vsub.f32 $1.500000000e+00, v55  }
0x15a: {  	v19 =	vadd.s32 v20, v19;
	v54 =	vld [tilespmem:s17+$0x10];
	v0 =	vmul.f32 v49, v46;
	v62 =	vmul.f32 v47, v48  }
0x15b: {  	v35 =	vxor.u32 $0x80000000, v35;
	v1 =	vmul.f32 v44, v45;
	v52 =	vmul.f32 v52, v55  }
0x15c: {  	v34 =	vxor.u32 $0x80000000, v34;
	(xrf0) =	vmax.scan.msk.u32 $0xffff, v35;
	v56 =	vmul.f32 v0, v49;
	v55 =	vmul.f32 v62, v47  }
0x15d: {  	v26 =	vxor.u32 $0x80000000, v26;
	(xrf0) =	vmax.scan.msk.u32 $0xffff, v34;
	v35 =	vmul.f32 v50, v6;
	v34 =	vmul.f32 v50, v12  }
0x15e: {  	v41 =	vxor.u32 $0x80000000, v41;
	v57 =	vmul.f32 v1, v44;
	v0 =	vmul.f32 v52, v53  }
0x15f: {  	v50 =	vmul.f32 v50, v60;
	v56 =	vsub.f32 $1.500000000e+00, v56;
	v59 =	vmul.f32 v54, v7  }
0x160: {  	v55 =	vsub.f32 $1.500000000e+00, v55;
	v57 =	vsub.f32 $1.500000000e+00, v57;
	v58 =	vmul.f32 v0, v52  }
0x161: {  	v49 =	vmul.f32 v56, v49;
	v35 =	vadd.f32 v59, v35;
	v59 =	vmul.f32 v54, v61  }
0x162: {  	v39 =	vshll.u32 v39, $0xA;
	v62, _, _ =	vpop (xrf0);
	v56 =	vld [tilespmem:s17+$0x0];
	v47 =	vmul.f32 v55, v47;
	v44 =	vmul.f32 v57, v44  }
0x163: {  	(v2sf) =	vpush v62, $0xF;
	v55 =	vld [tilespmem:s16+$0x0];
	v1 =	vsub.f32 $1.500000000e+00, v58;
	v46 =	vmul.f32 v49, v46  }
0x164: {  	v50 =	vadd.f32 v59, v50;
	v48 =	vmul.f32 v47, v48;
	v45 =	vmul.f32 v44, v45  }
0x165: {  	(xrf0) =	vmax.scan.msk.u32 $0xffff, v26;
	v35 =	vadd.f32 v51, v35;
	v26 =	vmul.f32 v1, v52;
	v46 =	vmul.f32 v46, v49  }
0x166: {  	v51 =	vshll.u32 v16, $0xA;
	v52 =	vmul.f32 v54, v8;
	v48 =	vmul.f32 v48, v47  }
0x167: {  	v16 =	vadd.s32 v17, v18;
	v45 =	vmul.f32 v45, v44;
	v0 =	vmul.f32 v26, v53  }
0x168: {  	v58 =	vld [tilespmem:s16+$0xFFFFFFF0];
	v46 =	vsub.f32 $1.500000000e+00, v46;
	v57 =	vmul.f32 v55, v6;
	v53 =	vmul.f32 v56, v8  }
0x169: {  	(xrf0) =	vmax.scan.msk.u32 $0xffff, v41;
	v48 =	vsub.f32 $1.500000000e+00, v48;
	v45 =	vsub.f32 $1.500000000e+00, v45;
	v41 =	vmul.f32 v0, v26  }
0x16a: {  	v15 =	vadd.s32 v15, v51;
	v46 =	vmul.f32 v46, v49;
	v49 =	vmul.f32 v56, v7  }
0x16b: {  	v34 =	vadd.f32 v52, v34;
	v47 =	vmul.f32 v48, v47;
	v44 =	vmul.f32 v45, v44  }
0x16c: {  	v1, _, _ =	vpop (xrf0);
	v48 =	vld [tilespmem:s17+$0xFFFFFFF0];
	v41 =	vsub.f32 $1.500000000e+00, v41;
	v45 =	vmul.f32 v55, v12;
	v38 =	vmul.f32 v46, v38  }
0x16d: {  	(v2sf) =	vpush v1, $0xF;
	v62, _, _ =	vpop (xrf0);
	v46 =	vmul.f32 v58, v6;
	v1 =	vmul.f32 v47, v42  }
0x16e: {  	(v2sf) =	vpush v62, $0xF;
	v42 =	vld [tilespmem:s17+$0xFFFFFFE0];
	v41 =	vmul.f32 v41, v26;
	v37 =	vmul.f32 v44, v37  }
0x16f: {  	v26 =	vadd.s32 v43, v39;
	v38 =	vmul.f32 v38, v63;
	v43 =	vmul.f32 v58, v12  }
0x170: {  	v49 =	vadd.f32 v49, v57;
	v47 =	vld [tilespmem:s18+$0xFFFFFFF0];
	v39 =	vmul.f32 v1, v63;
	v40 =	vmul.f32 v41, v40  }
0x171: {  	v0, _, _ =	vpop (xrf0);
	v44 =	vld [tilespmem:s16+$0xFFFFFFE0];
	v41 =	vmul.f32 v48, v7;
	v37 =	vmul.f32 v37, v63;
	v38 =	vadd.f32 $1.000000000e+00, v38  }
0x172: {  	(v2sf) =	vpush v0, $0xF;
	v62 =	vmul.f32 v48, v8;
	v48 =	vmul.f32 v48, v61  }
0x173: {  	v45 =	vadd.f32 v53, v45;
	(erf) = vrcp.f32 v38;
	v1 =	vmul.f32 v42, v7  }
0x174: {  	v57 =	vmul.f32 v42, v8;
	v43 =	vadd.f32 v62, v43;
	v62 =	vmul.f32 v55, v60  }
0x175: {  	v54 =	vld [tilespmem:$0x1FFD0];
	v37 =	vadd.f32 $1.000000000e+00, v37;
	v42 =	vmul.f32 v42, v61;
	v40 =	vmul.f32 v40, v63  }
0x176: {  	v41 =	vadd.f32 v41, v46;
	v59 =	vmul.f32 v47, v10;
	v0 =	vmul.f32 v44, v6  }
0x177: {  	v39 =	vadd.f32 $1.000000000e+00, v39;
	v46 =	vld [tilespmem:s18+$0x0];
	(erf) = vrcp.f32 v37;
	v37 =	vmul.f32 v44, v12  }
0x178: {  	v44 =	vmul.f32 v44, v60;
	v40 =	vadd.f32 $1.000000000e+00, v40;
	v41 =	vadd.f32 v59, v41  }
0x179: {  	v55 =	vld [tilespmem:$0x1FFD0];
	(erf) = vrcp.f32 v39;
	v38 =	vadd.f32 v1, v0;
	v1 =	vmul.f32 v58, v60  }
0x17a: {  	v39 =	vld [tilespmem:s18+$0xFFFFFFE0];
	v37 =	vadd.f32 v57, v37;
	v57 =	vmul.f32 v36, v11;
	v36 =	vmul.f32 v36, v54  }
0x17b: {  	v0 =	vmul.f32 v56, v61;
	v42 =	vadd.f32 v42, v44;
	(erf) = vrcp.f32 v40  }
0x17c: {  	v48 =	vadd.f32 v48, v1;
	v58 =	vmul.f32 v46, v10;
	v36 =	vadd.f32 v36, v50;
	v50 =	vld [tilespmem:$0x1FFD0]  }
0x17d: {  	v53 =	vadd.f32 v0, v62;
	v62 =	vmul.f32 v46, v11;
	v1 =	vmul.f32 v47, v11  }
0x17e: {  	v56 =	vmul.f32 v46, v55;
	v34 =	vadd.f32 v57, v34;
	v49 =	vadd.f32 v58, v49  }
0x17f: {  	v40 =	vadd.f32 v62, v45;
	v43 =	vadd.f32 v1, v43;
	v0 =	vmul.f32 v39, v10;
	v57 =	vpop (erf)  }
0x180: {  	v44 =	vadd.f32 v56, v53;
	v52 =	vmul.f32 v39, v11;
	v45 =	vadd.f32 $-6.000000240e-01, v57  }
0x181: {  	v38 =	vadd.f32 v0, v38;
	v58 =	vmul.f32 v47, v50;
	v59 =	vpop (erf);
	v39 =	vmul.f32 v39, v50  }
0x182: {  	v37 =	vadd.f32 v52, v37;
	v47 =	vadd.f32 $-6.000000240e-01, v59;
	v35 =	vmul.f32 v45, v35  }
0x183: {  	v62 =	vpop (erf);
	v34 =	vmul.f32 v45, v34;
	v20 =	vadd.f32 v58, v48;
	v39 =	vadd.f32 v39, v42  }
0x184: {  	v36 =	vmul.f32 v45, v36;
	v42 =	vadd.f32 $-6.000000240e-01, v62;
	v0 =	vpop (erf);
	v33 =	vadd.f32 v35, v33  }
0x185: {  	v1 =	vmul.f32 v47, v49;
	v35 =	vadd.f32 $-6.000000240e-01, v0;
	v40 =	vmul.f32 v47, v40  }
0x186: {  	v27 =	vadd.f32 v34, v27;
	v48 =	vmul.f32 v47, v44;
	v41 =	vmul.f32 v42, v41  }
0x187: {  	v17 =	vadd.f32 v36, v21;
	v46 =	vmul.f32 v42, v43;
	v20 =	vmul.f32 v42, v20  }
0x188: {  	v31 =	vadd.f32 v1, v31;
	v38 =	vmul.f32 v35, v38;
	v49 =	vmul.f32 v35, v37  }
0x189: {  	v28 =	vadd.f32 v40, v28;
	v35 =	vmul.f32 v35, v39;
	v52 =	vmul.f32 v27, v27  }
0x18a: {  	vm4 =	vgt.f32 v17, $1.000000050e-03;
	v30 =	vadd.f32 v41, v30;
	v29 =	vadd.f32 v46, v29  }
0x18b: {  	v18 =	vadd.f32 v20, v24;
	v20 =	vadd.f32 v48, v22;
	v22 =	vmul.f32 v33, v33  }
0x18c: {  	v24 =	vmul.f32 v17, v17;
	v32 =	vadd.f32 v38, v32;
	v23 =	vadd.f32 v49, v23  }
0x18d: {  	v21 =	vadd.f32 v35, v25;
	v25 =	vmax.f32 v17, $1.000000050e-03;
	v55 =	vmul.f32 v28, v28  }
0x18e: {  	v53 =	vmax.f32 v20, $1.000000050e-03;
	(erf) = vrcp.f32 v25;
	v25 =	vmul.f32 v31, v31  }
0x18f: {  	v54 =	vmax.f32 v18, $1.000000050e-03;
	v17 =	vmul.f32 v30, v30;
	v57 =	vmul.f32 v29, v29  }
0x190: {  	v22 =	vadd.f32 v52, v22;
	vm6 =	vgt.f32 v20, $1.000000050e-03;
	v20 =	vmul.f32 v20, v20  }
0x191: {  	v62 =	vmul.f32 v18, v18;
	vm5 =	vgt.f32 v18, $1.000000050e-03;
	(erf) = vrcp.f32 v53  }
0x192: {  	v56 =	vmax.f32 v21, $1.000000050e-03;
	v58 =	vmul.f32 v32, v32;
	v59 =	vmul.f32 v23, v23  }
0x193: {  	vm7 =	vgt.f32 v21, $1.000000050e-03;
	(erf) = vrcp.f32 v54;
	v17 =	vadd.f32 v57, v17  }
0x194: {  	s20 =	simm.s32 $0x6020;
	v25 =	vadd.f32 v55, v25;
	v22 =	vadd.f32 v22, v24;
	v24 =	vmul.f32 v21, v21  }
0x195: {  	v21 =	vld [tilespmem:s20+$0xFFFFFFF0];
	(erf) = vrcp.f32 v56;
	v34 =	vadd.f32 v59, v58;
	v17 =	vadd.f32 v17, v62  }
0x196: {  	v18 =	vadd.f32 v25, v20;
	vm8 =	vge.f32 v22, v2;
	vm9 =	vlt.f32 v22, v3  }
0x197: {  	v20 =	vadd.f32 v34, v24;
	vm8 =	vmand vm8, vm9;
	vm10 =	vge.f32 v17, v2  }
0x198: {  	vm11 =	vlt.f32 v17, v3;
	vm12 =	vge.f32 v18, v2;
	vm13 =	vlt.f32 v18, v3  }
0x199: {  	v22 =	vld [tilespmem:s20+$0x0];
	vm4 =	vmand vm4, vm8;
	vm14 =	vge.f32 v20, v2;
	vm15 =	vlt.f32 v20, v3  }
0x19a: {  	v21 =	vnsel vm2, $0x0, v21;
	vm12 =	vmand vm12, vm13;
	vm10 =	vmand vm10, vm11;
	v17 =	vpop (erf)  }
0x19b: {  	v24 =	vld [tilespmem:s20+$0xFFFFFFE0];
	vm13 =	vmand vm14, vm15;
	v25 =	vmul.f32 v17, v27;
	v17 =	vmul.f32 v17, v33;
	v27 =	vpop (erf)  }
0x19c: {  	vm6 =	vmand vm6, vm12;
	v18 =	vmul.f32 v27, v28;
	v27 =	vmul.f32 v27, v31;
	v28 =	vpop (erf)  }
0x19d: {  	vm5 =	vmand vm5, vm10;
	v29 =	vmul.f32 v28, v29;
	v28 =	vmul.f32 v28, v30  }
0x19e: {  	v22 =	vnsel vm0, $0x0, v22;
	v30 =	vpop (erf);
	v25 =	vmul.f32 v25, v9;
	v17 =	vmul.f32 v17, v9  }
0x19f: {  	s19 =	simm.s32 $0x7020;
	vm10 =	vmand vm7, vm13;
	v20 =	vmul.f32 v30, v23;
	v23 =	vmul.f32 v30, v32  }
0x1a0: {  	p0 =	por $0x1, $0x1;
	s21 =	simm.s32 $0x0;
	s18 =	simm.s32 $0x8020;
	[tilespmem:s19+$0xFFFFFFE0] =	vst v26;
	v24 =	vnsel vm3, $0x0, v24;
	v18 =	vmul.f32 v18, v9;
	v27 =	vmul.f32 v27, v9  }
0x1a1: {  	s21 =	simm.s32 @!p0 $0x100;
	s22 =	spop (v2sf);
	[tilespmem:s18+$0xFFFFFFE0] =	vst v24;
	v29 =	vmul.f32 v29, v9;
	v17 =	vadd.f32 $5.000000000e-01, v17;
	v25 =	vadd.f32 $5.000000000e-01, v25  }
0x1a2: {  	s22 =	sadd.s32 $0x0, s22;
	[tilespmem:s21+$0x9000] =	vst.msk vm3, v26;
	v28 =	vmul.f32 v28, v9;
	v20 =	vmul.f32 v20, v9;
	v18 =	vadd.f32 $5.000000000e-01, v18  }
0x1a3: {  	s22 =	sadd.s32 $0x80000000, s22;
	[tilespmem:s21+$0x9180] =	vst.msk vm3, v24;
	v24 =	vld [tilespmem:s20+$0x10];
	v23 =	vmul.f32 v23, v9;
	v27 =	vadd.f32 $5.000000000e-01, v27;
	v29 =	vadd.f32 $5.000000000e-01, v29  }
0x1a4: {  	p0 =	slt.s32 s22, $0x100;
	s23 =	spop (v2sf);
	[tilespmem:s19+$0xFFFFFFF0] =	vst v19;
	v17 =	vmul.f32 $1.024000000e+03, v17;
	v25 =	vmul.f32 $1.024000000e+03, v25;
	v28 =	vadd.f32 $5.000000000e-01, v28  }
0x1a5: {  	s26 =	sadd.s32 s23, s22;
	s22 =	simm.s32 @!p0 $0x100;
	[tilespmem:s18+$0xFFFFFFF0] =	vst v21;
	v23 =	vadd.f32 $5.000000000e-01, v23;
	v18 =	vmul.f32 $1.024000000e+03, v18;
	v27 =	vmul.f32 $1.024000000e+03, v27  }
0x1a6: {  	[tilespmem:s22+$0x9000] =	vst.msk vm2, v19;
	v20 =	vadd.f32 $5.000000000e-01, v20;
	v29 =	vmul.f32 $1.024000000e+03, v29;
	v28 =	vmul.f32 $1.024000000e+03, v28  }
0x1a7: {  	[tilespmem:s22+$0x9180] =	vst.msk vm2, v21;
	vm8 =	vlt.f32 v17, $1.024000000e+03;
	vm2 =	vge.f32 v17, $0.0e+00;
	v23 =	vmul.f32 $1.024000000e+03, v23  }
0x1a8: {  	v24 =	vnsel vm1, $0x0, v24;
	v17 =	vmax.f32 v17, $0.0e+00;
	v20 =	vmul.f32 $1.024000000e+03, v20  }
0x1a9: {  	vm7 =	vlt.f32 v18, $1.024000000e+03;
	vm13 =	vlt.f32 v27, $1.024000000e+03;
	vm11 =	vge.f32 v23, $0.0e+00  }
0x1aa: {  	vm3 =	vge.f32 v27, $0.0e+00;
	vm10 =	vmand vm10, vm11;
	vm11 =	vlt.f32 v23, $1.024000000e+03  }
0x1ab: {  	vm12 =	vge.f32 v29, $0.0e+00;
	vm10 =	vmand vm11, vm10;
	vm11 =	vge.f32 v28, $0.0e+00  }
0x1ac: {  	vm14 =	vge.f32 v20, $0.0e+00;
	vm5 =	vmand vm5, vm11;
	vm11 =	vlt.f32 v28, $1.024000000e+03  }
0x1ad: {  	vm10 =	vmand vm14, vm10;
	vm14 =	vlt.f32 v20, $1.024000000e+03;
	vm11 =	vmand vm11, vm5  }
0x1ae: {  	vm9 =	vlt.f32 v29, $1.024000000e+03;
	vm5 =	vmand vm14, vm10;
	vm14 =	vmand vm12, vm11  }
0x1af: {  	vm6 =	vmand vm6, vm3;
	v26 =	vmpcnt.ones.xlane vm5;
	vm3 =	vmand vm9, vm14  }
0x1b0: {  	[tilespmem:s19+$0x0] =	vst v16;
	vm15 =	vge.f32 v18, $0.0e+00;
	vm6 =	vmand vm13, vm6;
	v19 =	vmpcnt.ones.xlane vm3  }
0x1b1: {  	[tilespmem:s18+$0x0] =	vst v22;
	s21 =	sadd.s32 $0x80000000, s26;
	vm4 =	vmand vm4, vm2;
	vm6 =	vmand vm15, vm6;
	v21 =	vxor.u32 $0x80000000, v26  }
0x1b2: {  	s23 =	spop (v2sf);
	p0 =	slt.s32 s21, $0x100;
	v18 =	vmax.f32 v18, $0.0e+00;
	vm2 =	vmand vm7, vm6;
	(xrf0) =	vmax.scan.msk.u32 $0xffff, v21;
	v19 =	vxor.u32 $0x80000000, v19  }
0x1b3: {  	s20 =	sadd.s32 s23, s21;
	s21 =	simm.s32 @!p0 $0x100;
	v17 =	vmin.f32 v17, $1.023000000e+03;
	vm4 =	vmand vm8, vm4;
	(xrf0) =	vmax.scan.msk.u32 $0xffff, v19;
	v19 =	vmpcnt.ones.xlane vm2  }
0x1b4: {  	[tilespmem:s21+$0x9000] =	vst.msk vm0, v16;
	v16 =	vmax.f32 v23, $0.0e+00;
	vm6 =	vge.f32 v25, $0.0e+00;
	vm7 =	vlt.f32 v25, $1.024000000e+03  }
0x1b5: {  	vm4 =	vmand vm6, vm4;
	v20 =	vmax.f32 v20, $0.0e+00;
	v19 =	vxor.u32 $0x80000000, v19  }
0x1b6: {  	vm4 =	vmand vm7, vm4;
	v26 =	vmin.f32 v20, $1.023000000e+03;
	v20 =	vmax.f32 v25, $0.0e+00;
	(xrf0) =	vmax.scan.msk.u32 $0xffff, v19  }
0x1b7: {  	[tilespmem:s19+$0x10] =	vst v15;
	s23 =	sadd.s32 $0x80000000, s20;
	v25 =	vmin.f32 v18, $1.023000000e+03;
	v21 =	vmax.f32 v29, $0.0e+00;
	v26 =	vtrunc.f32 v26  }
0x1b8: {  	s25 =	spop (v2sf);
	s20 =	simm.s32 $0x6060;
	p0 =	slt.s32 s23, $0x100;
	[tilespmem:s21+$0x9180] =	vst.msk vm0, v22;
	v22 =	vtrunc.f32 v25;
	v29 =	vmin.f32 v21, $1.023000000e+03;
	v19 =	vmpcnt.ones.xlane vm4  }
0x1b9: {  	s26 =	sadd.s32 s25, s23;
	s23 =	simm.s32 @!p0 $0x100;
	[tilespmem:s18+$0x10] =	vst v24;
	v30 =	vmin.f32 v20, $1.023000000e+03;
	v20 =	vld [tilespmem:s20+$0xFFFFFFE0];
	v25 =	vcvt.f32.s32 v26;
	v23 =	vtrunc.f32 v29  }
0x1ba: {  	s25 =	sadd.s32 $0x80000000, s26;
	[tilespmem:s23+$0x9000] =	vst.msk vm1, v15;
	v21 =	vld [tilespmem:s20+$0xFFFFFFF0];
	v18, _, _ =	vpop (xrf0);
	v31 =	vxor.u32 $0x80000000, v19;
	v19 =	vmax.f32 v28, $0.0e+00;
	v28 =	vmax.f32 v27, $0.0e+00  }
0x1bb: {  	p0 =	slt.s32 s25, $0x100;
	s22 =	smov.u32 s25;
	[tilespmem:s23+$0x9180] =	vst.msk vm1, v24;
	(v2sf) =	vpush v18, $0xF;
	v18 =	vmin.f32 v16, $1.023000000e+03;
	v27 =	vld [tilespmem:s20+$0x0];
	v16 =	vtrunc.f32 v30;
	v15, _, _ =	vpop (xrf0)  }
0x1bc: {  	s21 =	simm.s32 $0x4;
	s22 =	simm.s32 @!p0 $0x100;
	s23 =	simm.s32 $0x50A0;
	v30 =	vld [tilespmem:s20+$0x10];
	v19 =	vmin.f32 v19, $1.023000000e+03;
	(xrf0) =	vmax.scan.msk.u32 $0xffff, v31;
	v24 =	vmin.f32 v28, $1.023000000e+03;
	(v2sf) =	vpush v15, $0xF;
	v26, _, _ =	vpop (xrf0)  }
.LBB2_5:
0x1bd: {  	_ =	sdelay $0x1  }
0x1be: {  	v0 =	vld [tilespmem:s23+$0x10];
	v23 =	vcvt.f32.s32 v23  }
0x1bf: {  	v22 =	vcvt.f32.s32 v22;
	s16 =	sadd.s32 $0x40, s16;
	(v2sf) =	vpush v26, $0xF;
	v29 =	vtrunc.f32 v17;
	v17 =	vld [tilespmem:s23+$0xFFFFFFF0]  }
0x1c0: {  	v18 =	vtrunc.f32 v18;
	v26 =	vcvt.f32.s32 v16;
	s17 =	sadd.s32 $0x40, s17;
	v28 =	vld [tilespmem:s16+$0x10]  }
0x1c1: {  	v19 =	vtrunc.f32 v19;
	v31 =	vld [tilespmem:s17+$0x10];
	v18 =	vcvt.f32.s32 v18;
	v16, _, _ =	vpop (xrf0)  }
0x1c2: {  	v25 =	vshll.u32 v25, $0xA;
	v19 =	vcvt.f32.s32 v19;
	v33 =	vld [tilespmem:s16+$0x0];
	(v2sf) =	vpush v16, $0xF  }
0x1c3: {  	v24 =	vtrunc.f32 v24;
	s19 =	sadd.s32 $0x40, s19;
	s13 =	sadd.s32 $0x40, s13;
	v34 =	vld [tilespmem:s17+$0x0];
	v23 =	vshll.u32 v23, $0xA;
	v32 =	vadd.s32 v18, v25  }
0x1c4: {  	s14 =	sadd.s32 $0x40, s14;
	v24 =	vcvt.f32.s32 v24;
	v38 =	vld [tilespmem:s13+$0x10];
	v22 =	vshll.u32 v22, $0xA;
	v35 =	vadd.s32 v19, v23;
	[tilespmem:s19+$0xFFFFFFE0] =	vst v32  }
0x1c5: {  	s18 =	sadd.s32 $0x40, s18;
	s15 =	sadd.s32 $0x40, s15;
	v40 =	vld [tilespmem:s14+$0x10];
	v26 =	vshll.u32 v26, $0xA;
	v25 =	vcvt.f32.s32 v29;
	[tilespmem:s19+$0xFFFFFFF0] =	vst v35;
	v39 =	vnsel vm5, $0x0, v20  }
0x1c6: {  	v42 =	vld [tilespmem:s15+$0x10];
	v36 =	vadd.s32 v24, v22;
	v41 =	vnsel vm3, $0x0, v21;
	v18 =	vmul.f32 v0, v10;
	[tilespmem:s18+$0xFFFFFFE0] =	vst v39  }
0x1c7: {  	v43 =	vnsel vm2, $0x0, v27;
	v19 =	vmul.f32 v0, v11;
	v16 =	vld [tilespmem:s23+$0x0];
	v23 =	vmul.f32 v28, v6;
	[tilespmem:s19+$0x0] =	vst v36  }
0x1c8: {  	v37 =	vadd.s32 v25, v26;
	[tilespmem:s18+$0xFFFFFFF0] =	vst v41;
	v25 =	vmul.f32 v31, v7;
	v24 =	vmul.f32 v28, v12;
	v44 =	vld [tilespmem:s13+$0x0]  }
0x1c9: {  	v26 =	vmul.f32 v31, v8;
	v27 =	vmul.f32 v33, v6;
	v45 =	vld [tilespmem:s14+$0x0];
	[tilespmem:s18+$0x0] =	vst v43  }
0x1ca: {  	v62 =	vnsel vm4, $0x0, v30;
	[tilespmem:s22+$0x9000] =	vst.msk vm5, v32;
	v29 =	vmul.f32 v34, v7;
	v30 =	vmul.f32 v33, v12;
	v48 =	vld [tilespmem:s15+$0x0];
	s26 =	spop (v2sf)  }
0x1cb: {  	v32 =	vmul.f32 v34, v8;
	v46 =	vmul.f32 v38, v10;
	[tilespmem:s22+$0x9180] =	vst.msk vm5, v39;
	s22 =	sadd.s32 s26, s25  }
0x1cc: {  	v47 =	vmul.f32 v38, v11;
	v49 =	vmul.f32 v40, v6;
	v52 =	vld [tilespmem:s14+$0xFFFFFFF0];
	s26 =	spop (v2sf);
	s22 =	sadd.s32 $0x80000000, s22  }
0x1cd: {  	v38 =	vmul.f32 v38, v50;
	[tilespmem:s19+$0x10] =	vst v37;
	v50 =	vmul.f32 v42, v7;
	p0 =	slt.s32 s22, $0x100;
	s25 =	sadd.s32 s26, s22  }
0x1ce: {  	v59 =	vld [tilespmem:$0x1FFD0];
	v51 =	vmul.f32 v40, v12;
	v53 =	vmul.f32 v42, v8;
	[tilespmem:s18+$0x10] =	vst v62;
	s26 =	spop (v2sf);
	s22 =	simm.s32 @!p0 $0x100;
	s25 =	sadd.s32 $0x80000000, s25  }
0x1cf: {  	v57 =	vmul.f32 v45, v12;
	v58 =	vmul.f32 v48, v8;
	[tilespmem:s22+$0x9000] =	vst.msk vm3, v35;
	p0 =	slt.s32 s25, $0x100;
	s26 =	sadd.s32 s26, s25  }
0x1d0: {  	v40 =	vmul.f32 v40, v60;
	v42 =	vmul.f32 v42, v61;
	v51 =	vadd.f32 v53, v51;
	v35 =	vld [tilespmem:s15+$0xFFFFFFF0];
	[tilespmem:s22+$0x9180] =	vst.msk vm3, v41;
	s25 =	simm.s32 @!p0 $0x100;
	s26 =	sadd.s32 $0x80000000, s26  }
0x1d1: {  	v39 =	vmul.f32 v52, v6;
	v54 =	vmul.f32 v44, v10;
	v53 =	vadd.f32 v58, v57;
	v57 =	vld [tilespmem:$0x1FFB0];
	[tilespmem:s25+$0x9000] =	vst.msk vm2, v36;
	p0 =	slt.s32 s26, $0x100;
	s22 =	spop (v2sf)  }
0x1d2: {  	v56 =	vmul.f32 v48, v7;
	v41 =	vmul.f32 v45, v6;
	v36 =	vld [tilespmem:s14+$0xFFFFFFE0];
	[tilespmem:s25+$0x9180] =	vst.msk vm2, v43;
	s22 =	sadd.s32 s22, s26;
	s26 =	simm.s32 @!p0 $0x100  }
0x1d3: {  	v55 =	vmul.f32 v44, v11;
	v44 =	vmul.f32 v44, v59;
	v43 =	vld [tilespmem:s15+$0xFFFFFFE0];
	[tilespmem:s26+$0x9000] =	vst.msk vm4, v37  }
0x1d4: {  	v59 =	vmul.f32 v52, v12;
	v41 =	vadd.f32 v56, v41;
	v37 =	vmul.f32 v45, v60;
	[tilespmem:s26+$0x9180] =	vst.msk vm4, v62;
	v62 =	vld [tilespmem:$0x1FFB0]  }
0x1d5: {  	v49 =	vadd.f32 v50, v49;
	v58 =	vld [tilespmem:$0x1FFC0];
	v45 =	vmul.f32 v48, v61;
	v48 =	vmul.f32 v35, v7  }
0x1d6: {  	v41 =	vadd.f32 v54, v41;
	v60 =	vmul.f32 v35, v8;
	v35 =	vmul.f32 v35, v61  }
0x1d7: {  	v15 =	vmovc v9;
	v40 =	vadd.f32 v42, v40;
	v61 =	vmul.f32 v36, v6;
	v50 =	vmul.f32 v36, v12  }
0x1d8: {  	v9 =	vmovc v63;
	v63 =	vld [tilespmem:s13+$0xFFFFFFF0];
	v36 =	vmul.f32 v36, v57;
	v45 =	vadd.f32 v45, v37;
	v1 =	vmul.f32 v41, v41  }
0x1d9: {  	v56 =	vld [tilespmem:s13+$0xFFFFFFE0];
	v37 =	vadd.f32 v55, v53;
	v42 =	vmul.f32 v43, v8;
	v52 =	vmul.f32 v52, v62  }
0x1da: {  	v39 =	vadd.f32 v48, v39;
	v3 =	vmul.f32 v43, v58;
	v45 =	vadd.f32 v44, v45  }
0x1db: {  	v55 =	vmul.f32 v37, v37;
	v52 =	vadd.f32 v35, v52;
	v35 =	vadd.f32 v46, v49;
	v49 =	vld [tilespmem:$0x1FFD0]  }
0x1dc: {  	v48 =	vld [tilespmem:s16+$0xFFFFFFF0];
	v42 =	vadd.f32 v42, v50;
	v58 =	vadd.f32 v3, v36;
	v62 =	vmul.f32 v43, v7  }
0x1dd: {  	v36 =	vadd.f32 v47, v51;
	v43 =	vadd.f32 v60, v59;
	v59 =	vmul.f32 v63, v11  }
0x1de: {  	v60 =	vmul.f32 v56, v10;
	v57 =	vadd.f32 v62, v61;
	v62 =	vmul.f32 v63, v10  }
0x1df: {  	v51 =	vadd.f32 v55, v1;
	v2 =	vmul.f32 v36, v36;
	v61 =	vmul.f32 v56, v11  }
0x1e0: {  	v46 =	vmul.f32 v63, v49;
	v49 =	vadd.f32 v38, v40;
	v40 =	vadd.f32 v62, v39;
	v62 =	vld [tilespmem:$0x1FFD0]  }
0x1e1: {  	v53 =	vld [tilespmem:s17+$0xFFFFFFF0];
	v47 =	vmul.f32 v48, v6;
	v44 =	vadd.f32 v60, v57;
	v38 =	vadd.f32 v59, v43  }
0x1e2: {  	[tilespmem:$0x1FF60] =	vst v0;
	v0 =	vmul.f32 v35, v35;
	v39 =	vadd.f32 v61, v42;
	v42 =	vadd.f32 $5.000000000e+02, v45  }
0x1e3: {  	v60 =	vmul.f32 v44, v44;
	v46 =	vadd.f32 v46, v52;
	v3 =	vmul.f32 v40, v40  }
0x1e4: {  	v61 =	vmul.f32 v38, v38;
	v52 =	vadd.f32 v2, v0;
	v0 =	vmul.f32 v42, v42  }
0x1e5: {  	v43 =	vadd.f32 $5.000000000e+02, v49;
	v45 =	vadd.f32 $5.000000000e+02, v46;
	v63 =	vmul.f32 v56, v62  }
0x1e6: {  	v49 =	vmul.f32 v53, v7;
	v54 =	vadd.f32 v61, v3;
	v55 =	vadd.f32 v0, v51  }
0x1e7: {  	v51 =	vmul.f32 v53, v8;
	v2 =	vmul.f32 v45, v45;
	v50 =	vadd.f32 v63, v58  }
0x1e8: {  	v62 =	vmul.f32 v39, v39;
	v63 =	vmul.f32 v43, v43  }
0x1e9: {  	v55 =	vmax.f32 v55, $9.999999960e-13;
	v54 =	vadd.f32 v2, v54;
	v46 =	vadd.f32 $5.000000000e+02, v50  }
0x1ea: {  	v61 =	vld [tilespmem:s16+$0xFFFFFFE0];
	v58 =	vshrl.u32 v55, $0x1;
	v59 =	vmul.f32 $5.000000000e-01, v55;
	v52 =	vadd.f32 v63, v52  }
0x1eb: {  	v50 =	vadd.f32 v62, v60;
	v54 =	vmax.f32 v54, $9.999999960e-13;
	v1 =	vmul.f32 v46, v46  }
0x1ec: {  	v52 =	vmax.f32 v52, $9.999999960e-13;
	v62 =	vshrl.u32 v54, $0x1;
	v63 =	vmul.f32 $5.000000000e-01, v54  }
0x1ed: {  	v58 =	vsub.s32 $0x5F3759DF, v58;
	v3 =	vshrl.u32 v52, $0x1;
	v62 =	vsub.s32 $0x5F3759DF, v62  }
0x1ee: {  	v60 =	vmul.f32 $5.000000000e-01, v52;
	v56 =	vadd.f32 v1, v50;
	v1 =	vmul.f32 v62, v63  }
0x1ef: {  	v14 =	vmul.f32 v58, v59;
	v5 =	vmul.f32 v61, v6;
	v57 =	vsub.s32 $0x5F3759DF, v3;
	v3 =	vld [tilespmem:s17+$0xFFFFFFE0]  }
0x1f0: {  	v0 =	vmul.f32 v57, v60;
	v56 =	vmax.f32 v56, $9.999999960e-13;
	v1 =	vmul.f32 v62, v1  }
0x1f1: {  	v14 =	vmul.f32 v58, v14;
	v2 =	vshrl.u32 v56, $0x1;
	v13 =	vmul.f32 $5.000000000e-01, v56  }
0x1f2: {  	v0 =	vmul.f32 v57, v0;
	v2 =	vsub.s32 $0x5F3759DF, v2;
	v1 =	vsub.f32 $1.500000000e+00, v1  }
0x1f3: {  	v50 =	vmul.f32 v48, v12;
	v4 =	vmul.f32 v2, v13  }
0x1f4: {  	v0 =	vsub.f32 $1.500000000e+00, v0;
	v6 =	vmul.f32 v3, v7;
	v1 =	vmul.f32 v62, v1  }
0x1f5: {  	v14 =	vsub.f32 $1.500000000e+00, v14;
	v7 =	vmul.f32 v61, v12;
	v12 =	vld [tilespmem:$0x1FFB0];
	v4 =	vmul.f32 v2, v4  }
0x1f6: {  	v0 =	vmul.f32 v57, v0;
	v62 =	vmul.f32 v1, v63  }
0x1f7: {  	v14 =	vmul.f32 v58, v14;
	v57 =	vmul.f32 v3, v8;
	v4 =	vsub.f32 $1.500000000e+00, v4  }
0x1f8: {  	v58 =	vmul.f32 v0, v60;
	v62 =	vmul.f32 v62, v1  }
0x1f9: {  	v2 =	vmul.f32 v2, v4;
	v4 =	vmul.f32 v14, v59  }
0x1fa: {  	v28 =	vmul.f32 v28, v12;
	v12 =	vld [tilespmem:$0x1FFC0];
	v58 =	vmul.f32 v58, v0  }
0x1fb: {  	v8 =	vmul.f32 v2, v13;
	v4 =	vmul.f32 v4, v14  }
0x1fc: {  	v21 =	vmul.f32 v17, v10;
	v62 =	vsub.f32 $1.500000000e+00, v62;
	v58 =	vsub.f32 $1.500000000e+00, v58  }
0x1fd: {  	v20 =	vmul.f32 v16, v10;
	v8 =	vmul.f32 v8, v2;
	v4 =	vsub.f32 $1.500000000e+00, v4  }
0x1fe: {  	v1 =	vmul.f32 v62, v1;
	v0 =	vmul.f32 v58, v0  }
0x1ff: {  	v31 =	vmul.f32 v31, v12;
	v8 =	vsub.f32 $1.500000000e+00, v8;
	v4 =	vmul.f32 v4, v14  }
0x200: {  	v12 =	vld [tilespmem:$0x1FFB0];
	v58 =	vmul.f32 v1, v63;
	v14 =	vmul.f32 v0, v60  }
0x201: {  	v2 =	vmul.f32 v8, v2;
	v8 =	vmul.f32 v4, v59  }
0x202: {  	v60 =	vld [tilespmem:$0x1FFB0];
	v58 =	vmul.f32 v58, v1;
	v14 =	vmul.f32 v14, v0  }
0x203: {  	v13 =	vmul.f32 v2, v13;
	v8 =	vmul.f32 v8, v4  }
0x204: {  	v22 =	vmul.f32 v16, v11;
	v58 =	vsub.f32 $1.500000000e+00, v58;
	v14 =	vsub.f32 $1.500000000e+00, v14  }
0x205: {  	v33 =	vmul.f32 v33, v12;
	v12 =	vld [tilespmem:$0x1FFC0];
	v13 =	vmul.f32 v13, v2;
	v8 =	vsub.f32 $1.500000000e+00, v8  }
0x206: {  	v1 =	vmul.f32 v58, v1;
	v0 =	vmul.f32 v14, v0  }
0x207: {  	v59 =	vmul.f32 v61, v60;
	v61 =	vld [tilespmem:$0x1FFC0];
	v13 =	vsub.f32 $1.500000000e+00, v13;
	v4 =	vmul.f32 v8, v4  }
0x208: {  	v57 =	vadd.f32 v57, v7;
	v1 =	vmul.f32 v1, v54;
	v0 =	vmul.f32 v0, v52  }
0x209: {  	v63 =	vmovc v9;
	v14 =	vadd.f32 v29, v27;
	v2 =	vmul.f32 v13, v2;
	v4 =	vmul.f32 v4, v55  }
0x20a: {  	v34 =	vmul.f32 v34, v12;
	v12 =	vld [tilespmem:$0x1FFC0];
	v8 =	vadd.f32 v25, v23;
	v0 =	vmul.f32 v0, v63  }
0x20b: {  	v14 =	vadd.f32 v20, v14;
	v2 =	vmul.f32 v2, v56;
	v4 =	vmul.f32 v4, v63  }
0x20c: {  	v1 =	vmul.f32 v1, v63;
	v3 =	vmul.f32 v3, v61;
	v0 =	vadd.f32 $1.000000000e+00, v0  }
0x20d: {  	v13 =	vadd.f32 v26, v24;
	v2 =	vmul.f32 v2, v63;
	v4 =	vadd.f32 $1.000000000e+00, v4  }
0x20e: {  	v23 =	vld [tilespmem:s23+$0xFFFFFFE0];
	v24 =	vadd.f32 v32, v30;
	v1 =	vadd.f32 $1.000000000e+00, v1;
	(erf) = vrcp.f32 v0  }
0x20f: {  	v53 =	vmul.f32 v53, v12;
	v12 =	vld [tilespmem:$0x1FF60];
	v55 =	vadd.f32 $1.000000000e+00, v2;
	(erf) = vrcp.f32 v4  }
0x210: {  	v4 =	vadd.f32 v6, v5;
	v5 =	vadd.f32 v51, v50;
	v50 =	vld [tilespmem:$0x1FFD0];
	(erf) = vrcp.f32 v1  }
0x211: {  	v25 =	vadd.f32 v34, v33;
	v8 =	vadd.f32 v18, v8;
	(erf) = vrcp.f32 v55  }
0x212: {  	v48 =	vmul.f32 v48, v60;
	v56 =	vadd.f32 v49, v47;
	v3 =	vadd.f32 v3, v59  }
0x213: {  	v58 =	vmul.f32 v17, v11;
	v13 =	vadd.f32 v19, v13;
	v19 =	vadd.f32 v22, v24  }
0x214: {  	v26 =	vmul.f32 v23, v10;
	v18 =	vmul.f32 v23, v11;
	v7 =	vadd.f32 v53, v48  }
0x215: {  	v6 =	vadd.f32 v31, v28;
	v2 =	vadd.f32 v21, v56;
	v12 =	vmul.f32 v12, v50  }
0x216: {  	v9 =	vmovc v15;
	v1 =	vadd.f32 v18, v57;
	v0 =	vadd.f32 v58, v5;
	v5 =	vmul.f32 v16, v50  }
0x217: {  	v4 =	vadd.f32 v26, v4;
	v16 =	vmul.f32 v17, v50;
	v6 =	vadd.f32 v12, v6;
	v15 =	vpop (erf)  }
0x218: {  	v18 =	vmul.f32 v23, v50;
	v5 =	vadd.f32 v5, v25;
	v15 =	vadd.f32 $-6.000000240e-01, v15;
	v17 =	vpop (erf)  }
0x219: {  	v7 =	vadd.f32 v16, v7;
	v16 =	vadd.f32 $-6.000000240e-01, v17;
	v17 =	vpop (erf)  }
0x21a: {  	v3 =	vadd.f32 v18, v3;
	v8 =	vmul.f32 v15, v8;
	v13 =	vmul.f32 v15, v13;
	v20 =	vpop (erf)  }
0x21b: {  	v6 =	vmul.f32 v15, v6;
	v17 =	vadd.f32 $-6.000000240e-01, v17;
	v20 =	vadd.f32 $-6.000000240e-01, v20  }
0x21c: {  	v14 =	vmul.f32 v16, v14;
	v19 =	vmul.f32 v16, v19;
	v8 =	vadd.f32 v8, v35  }
0x21d: {  	v13 =	vadd.f32 v13, v36;
	v5 =	vmul.f32 v16, v5;
	v2 =	vmul.f32 v17, v2  }
0x21e: {  	v6 =	vadd.f32 v6, v43;
	v0 =	vmul.f32 v17, v0;
	v7 =	vmul.f32 v17, v7  }
0x21f: {  	v4 =	vmul.f32 v20, v4;
	v1 =	vmul.f32 v20, v1;
	v14 =	vadd.f32 v14, v41  }
0x220: {  	v15 =	vadd.f32 v19, v37;
	v3 =	vmul.f32 v20, v3;
	v16 =	vmul.f32 v8, v8  }
0x221: {  	v5 =	vadd.f32 v5, v42;
	v17 =	vmul.f32 v6, v6;
	v19 =	vmul.f32 v13, v13  }
0x222: {  	vm0 =	vgt.f32 v6, $1.000000050e-03;
	v6 =	vmax.f32 v6, $1.000000050e-03;
	v2 =	vadd.f32 v2, v40  }
0x223: {  	v0 =	vadd.f32 v0, v38;
	v7 =	vadd.f32 v7, v45;
	(erf) = vrcp.f32 v6  }
0x224: {  	v4 =	vadd.f32 v4, v44;
	v1 =	vadd.f32 v1, v39;
	v18 =	vmul.f32 v5, v5  }
0x225: {  	v3 =	vadd.f32 v3, v46;
	v22 =	vmul.f32 v2, v2;
	v6 =	vmul.f32 v0, v0  }
0x226: {  	v20 =	vmul.f32 v14, v14;
	v23 =	vmax.f32 v5, $1.000000050e-03;
	vm3 =	vgt.f32 v5, $1.000000050e-03  }
0x227: {  	(erf) = vrcp.f32 v23;
	v5 =	vmul.f32 v7, v7;
	v6 =	vadd.f32 v6, v22  }
0x228: {  	v21 =	vmul.f32 v15, v15;
	v24 =	vmax.f32 v7, $1.000000050e-03;
	v23 =	vmul.f32 v4, v4  }
0x229: {  	(erf) = vrcp.f32 v24;
	v24 =	vmul.f32 v1, v1;
	v12 =	vadd.f32 v6, v5;
	v6 =	vld [tilespmem:$0x1FFF0]  }
0x22a: {  	v16 =	vadd.f32 v19, v16;
	v25 =	vmax.f32 v3, $1.000000050e-03;
	v20 =	vadd.f32 v21, v20;
	v5 =	vld [tilespmem:$0x1FFE0]  }
0x22b: {  	v21 =	vmul.f32 v3, v3;
	(erf) = vrcp.f32 v25;
	v19 =	vadd.f32 v24, v23  }
0x22c: {  	vm1 =	vgt.f32 v7, $1.000000050e-03;
	v16 =	vadd.f32 v16, v17;
	v7 =	vadd.f32 v20, v18  }
0x22d: {  	vm2 =	vgt.f32 v3, $1.000000050e-03;
	v17 =	vadd.f32 v19, v21;
	v59 =	vpop (erf)  }
0x22e: {  	v3 =	vmul.f32 v59, v8;
	vm4 =	vge.f32 v7, v6;
	vm5 =	vge.f32 v16, v6  }
0x22f: {  	vm6 =	vlt.f32 v16, v5;
	vm7 =	vge.f32 v12, v6;
	vm8 =	vlt.f32 v12, v5  }
0x230: {  	vm9 =	vlt.f32 v7, v5;
	vm10 =	vge.f32 v17, v6;
	vm11 =	vlt.f32 v17, v5;
	v6 =	vpop (erf)  }
0x231: {  	v5 =	vmul.f32 v59, v13;
	v7 =	vmul.f32 v6, v15;
	vm6 =	vmand vm5, vm6  }
0x232: {  	v8 =	vpop (erf);
	vm9 =	vmand vm4, vm9;
	v6 =	vmul.f32 v6, v14;
	vm5 =	vmand vm7, vm8  }
0x233: {  	vm4 =	vmand vm10, vm11;
	v3 =	vmul.f32 v3, v9;
	v0 =	vmul.f32 v8, v0  }
0x234: {  	v13 =	vpop (erf);
	v2 =	vmul.f32 v8, v2;
	v5 =	vmul.f32 v5, v9;
	vm0 =	vmand vm0, vm6  }
0x235: {  	vm3 =	vmand vm3, vm9;
	vm5 =	vmand vm1, vm5;
	v1 =	vmul.f32 v13, v1  }
0x236: {  	vm7 =	vmand vm2, vm4;
	v4 =	vmul.f32 v13, v4;
	v7 =	vmul.f32 v7, v9  }
0x237: {  	v6 =	vmul.f32 v6, v9;
	v3 =	vadd.f32 $5.000000000e-01, v3;
	v0 =	vmul.f32 v0, v9  }
0x238: {  	v5 =	vadd.f32 $5.000000000e-01, v5;
	v2 =	vmul.f32 v2, v9;
	v1 =	vmul.f32 v1, v9  }
0x239: {  	v7 =	vadd.f32 $5.000000000e-01, v7;
	v4 =	vmul.f32 v4, v9;
	v6 =	vadd.f32 $5.000000000e-01, v6  }
0x23a: {  	v3 =	vmul.f32 $1.024000000e+03, v3;
	v0 =	vadd.f32 $5.000000000e-01, v0;
	v2 =	vadd.f32 $5.000000000e-01, v2  }
0x23b: {  	v5 =	vmul.f32 $1.024000000e+03, v5;
	v1 =	vadd.f32 $5.000000000e-01, v1;
	v4 =	vadd.f32 $5.000000000e-01, v4  }
0x23c: {  	v7 =	vmul.f32 $1.024000000e+03, v7;
	v6 =	vmul.f32 $1.024000000e+03, v6;
	vm4 =	vlt.f32 v3, $1.024000000e+03  }
0x23d: {  	vm9 =	vge.f32 v3, $0.0e+00;
	v3 =	vmax.f32 v3, $0.0e+00;
	v0 =	vmul.f32 $1.024000000e+03, v0  }
0x23e: {  	v2 =	vmul.f32 $1.024000000e+03, v2;
	vm1 =	vlt.f32 v5, $1.024000000e+03;
	v4 =	vmul.f32 $1.024000000e+03, v4  }
0x23f: {  	vm0 =	vmand vm0, vm9;
	v1 =	vmul.f32 $1.024000000e+03, v1;
	vm6 =	vge.f32 v7, $0.0e+00  }
0x240: {  	vm12 =	vlt.f32 v6, $1.024000000e+03;
	vm15 =	vge.f32 v6, $0.0e+00;
	vm10 =	vge.f32 v4, $0.0e+00  }
0x241: {  	vm14 =	vge.f32 v2, $0.0e+00;
	vm7 =	vmand vm7, vm10;
	vm10 =	vlt.f32 v4, $1.024000000e+03  }
0x242: {  	vm13 =	vlt.f32 v1, $1.024000000e+03;
	vm7 =	vmand vm10, vm7;
	vm10 =	vge.f32 v1, $0.0e+00  }
0x243: {  	vm7 =	vmand vm10, vm7;
	vm10 =	vmand vm5, vm14;
	vm14 =	vlt.f32 v2, $1.024000000e+03  }
0x244: {  	vm11 =	vge.f32 v0, $0.0e+00;
	vm5 =	vmand vm13, vm7;
	vm7 =	vmand vm14, vm10  }
0x245: {  	vm8 =	vlt.f32 v0, $1.024000000e+03;
	vm10 =	vmand vm3, vm15;
	vm7 =	vmand vm11, vm7  }
0x246: {  	v8 =	vmpcnt.ones.xlane vm5;
	vm3 =	vmand vm8, vm7;
	vm7 =	vmand vm12, vm10  }
0x247: {  	vm2 =	vlt.f32 v7, $1.024000000e+03;
	v13 =	vmpcnt.ones.xlane vm3;
	vm6 =	vmand vm6, vm7  }
0x248: {  	v17 =	vmin.f32 v3, $1.023000000e+03;
	v8 =	vxor.u32 $0x80000000, v8;
	vm2 =	vmand vm2, vm6  }
0x249: {  	vm0 =	vmand vm4, vm0;
	(xrf0) =	vmax.scan.msk.u32 $0xffff, v8;
	v8 =	vxor.u32 $0x80000000, v13;
	v13 =	vmpcnt.ones.xlane vm2  }
0x24a: {  	s20 =	sadd.s32 $0x40, s20;
	vm4 =	vge.f32 v5, $0.0e+00;
	v7 =	vmax.f32 v7, $0.0e+00;
	v5 =	vmax.f32 v5, $0.0e+00  }
0x24b: {  	s25 =	sadd.s32 $0x80000000, s22;
	v27 =	vld [tilespmem:s20+$0x0];
	v6 =	vmax.f32 v6, $0.0e+00;
	vm0 =	vmand vm4, vm0;
	(xrf0) =	vmax.scan.msk.u32 $0xffff, v8;
	v8 =	vxor.u32 $0x80000000, v13  }
0x24c: {  	s21 =	sadd.s32 $0x4, s21;
	p0 =	slt.s32 s25, $0x100;
	s22 =	smov.u32 s25;
	v30 =	vld [tilespmem:s20+$0x10];
	v0 =	vmax.f32 v0, $0.0e+00;
	v7 =	vmin.f32 v7, $1.023000000e+03;
	v5 =	vmin.f32 v5, $1.023000000e+03;
	(xrf0) =	vmax.scan.msk.u32 $0xffff, v8  }
0x24d: {  	s22 =	simm.s32 @!p0 $0x100;
	p0 =	slt.u32 s21, $0xFC;
	v20 =	vld [tilespmem:s20+$0xFFFFFFE0];
	v24 =	vmin.f32 v6, $1.023000000e+03;
	vm4 =	vmand vm1, vm0;
	v22 =	vtrunc.f32 v7  }
.Ltmp1:
0x24e: {  	v21 =	vld [tilespmem:s20+$0xFFFFFFF0];
	v0 =	vmin.f32 v0, $1.023000000e+03;
	v16 =	vtrunc.f32 v5;
	v12 =	vmpcnt.ones.xlane vm4;
	(pc) =	sbr.rel @p0 .LBB2_5-.Ltmp1, $4  }
0x24f: {  	v6 =	vld [tilespmem:$0x1FF70];
	v4 =	vmax.f32 v4, $0.0e+00;
	v23 =	vtrunc.f32 v0;
	v1 =	vmax.f32 v1, $0.0e+00  }
0x250: {  	v7 =	vld [tilespmem:$0x1FF80];
	v18 =	vmin.f32 v4, $1.023000000e+03;
	v1 =	vmin.f32 v1, $1.023000000e+03;
	v2 =	vmax.f32 v2, $0.0e+00;
	v13, _, _ =	vpop (xrf0)  }
0x251: {  	v1 =	vtrunc.f32 v1;
	v8 =	vxor.u32 $0x80000000, v12;
	v12 =	vld [tilespmem:$0x1FFA0];
	(v2sf) =	vpush v13, $0xF;
	v62, _, _ =	vpop (xrf0)  }
0x252: {  	s23 =	sadd.s32 $0x40, s23;
	v19 =	vmin.f32 v2, $1.023000000e+03;
	v25 =	vcvt.f32.s32 v1;
	(xrf0) =	vmax.scan.msk.u32 $0xffff, v8;
	v8 =	vld [tilespmem:$0x1FF90];
	(v2sf) =	vpush v62, $0xF;
	v26, _, _ =	vpop (xrf0)  }
0x253: {  	_ =	sdelay $0x2  }
0x254: {  	(v2sf) =	vpush v26, $0xF  }
0x255: {  	v0 =	vcvt.f32.s32 v23  }
0x256: {  	v2 =	vcvt.f32.s32 v22;
	v3 =	vtrunc.f32 v18;
	v1, _, _ =	vpop (xrf0)  }
0x257: {  	v3 =	vcvt.f32.s32 v3;
	(v2sf) =	vpush v1, $0xF;
	v1 =	vtrunc.f32 v19  }
0x258: {  	v5 =	vtrunc.f32 v24;
	v4 =	vshll.u32 v25, $0xA;
	v1 =	vcvt.f32.s32 v1  }
0x259: {  	s13 =	sadd.s32 $0x40, s19;
	v5 =	vcvt.f32.s32 v5;
	v0 =	vshll.u32 v0, $0xA;
	v3 =	vadd.s32 v3, v4  }
0x25a: {  	v2 =	vshll.u32 v2, $0xA;
	[tilespmem:s13+$0xFFFFFFE0] =	vst v3;
	v0 =	vadd.s32 v1, v0  }
0x25b: {  	v1 =	vadd.s32 v5, v2;
	[tilespmem:s13+$0xFFFFFFF0] =	vst v0  }
0x25c: {  	s14 =	sadd.s32 $0x40, s18;
	v2 =	vnsel vm5, $0x0, v20;
	[tilespmem:s13+$0x0] =	vst v1  }
0x25d: {  	[tilespmem:s14+$0xFFFFFFE0] =	vst v2  }
0x25e: {  	v4 =	vcvt.f32.s32 v16;
	v5 =	vtrunc.f32 v17;
	[tilespmem:s22+$0x9000] =	vst.msk vm5, v3  }
0x25f: {  	v3 =	vcvt.f32.s32 v5;
	v5 =	vnsel vm3, $0x0, v21;
	[tilespmem:s22+$0x9180] =	vst.msk vm5, v2;
	s15 =	spop (v2sf)  }
0x260: {  	v2 =	vshll.u32 v4, $0xA;
	v4 =	vnsel vm2, $0x0, v27;
	[tilespmem:s14+$0xFFFFFFF0] =	vst v5;
	s15 =	sadd.s32 s15, s25  }
0x261: {  	v2 =	vadd.s32 v3, v2;
	[tilespmem:s14+$0x0] =	vst v4;
	s16 =	spop (v2sf);
	s15 =	sadd.s32 $0x80000000, s15  }
0x262: {  	v3 =	vnsel vm4, $0x0, v30;
	[tilespmem:s13+$0x10] =	vst v2;
	s16 =	sadd.s32 s16, s15;
	p0 =	slt.s32 s15, $0x100  }
0x263: {  	s22 =	spop (v2sf);
	[tilespmem:s14+$0x10] =	vst v3;
	s13 =	sadd.s32 $0x80000000, s16;
	s15 =	simm.s32 @!p0 $0x100  }
0x264: {  	p0 =	slt.s32 s13, $0x100;
	s23 =	sadd.s32 s22, s13;
	[tilespmem:s15+$0x9000] =	vst.msk vm3, v0  }
0x265: {  	s13 =	simm.s32 @!p0 $0x100;
	[tilespmem:s15+$0x9180] =	vst.msk vm3, v5;
	s14 =	sadd.s32 $0x80000000, s23;
	p0 =	seq.s32 s11, $0x1F  }
0x266: {  	[tilespmem:s13+$0x9000] =	vst.msk vm2, v1;
	p1 =	slt.s32 s14, $0x100;
	s16 =	sshll.u32 @!p0 s11, $0xC;
	s25 =	spop (v2sf)  }
0x267: {  	[tilespmem:s13+$0x9180] =	vst.msk vm2, v4;
	s13 =	sadd.s32 @!p0 s16, s24;
	s15 =	sadd.s32 s25, s14;
	s14 =	simm.s32 @!p1 $0x100  }
0x268: {  	s13 =	sshrl.u32 @!p0 s13, $0x3;
	[tilespmem:s14+$0x9000] =	vst.msk vm4, v2  }
0x269: {  	s16 =	simm.s32 @!p0 $0x0;
	[tilespmem:s14+$0x9180] =	vst.msk vm4, v3;
	s14 =	sadd.s32 @!p0 s0, s13  }
0x26a: {  	[tilespmem:s16], [sflag:$0x1] =	stream.linear.gather @!p0 [hbm4b:s14+s16], $0x1000, $0x38;
	[tilespmem:$0x1B400] =	vst v63  }
0x26b: {  	s17 =	simm.s32 @!p0 $0x1000;
	s14 =	sadd.s32 @!p0 s1, s13  }
0x26c: {  	[tilespmem:s17], [sflag:$0x1] =	stream.linear.gather @!p0 [hbm4b:s14+s16], $0x1000, $0x38;
	[tilespmem:$0x1B400] =	vst v63  }
0x26d: {  	s14 =	sadd.s32 @!p0 s2, s13;
	s17 =	simm.s32 @!p0 $0x2000  }
0x26e: {  	[tilespmem:s17], [sflag:$0x1] =	stream.linear.gather @!p0 [hbm4b:s14+s16], $0x1000, $0x38;
	[tilespmem:$0x1B400] =	vst v63  }
0x26f: {  	s14 =	sadd.s32 @!p0 s3, s13;
	s17 =	simm.s32 @!p0 $0x3000  }
0x270: {  	[tilespmem:s17], [sflag:$0x1] =	stream.linear.gather @!p0 [hbm4b:s14+s16], $0x1000, $0x38;
	[tilespmem:$0x1B400] =	vst v63  }
0x271: {  	s14 =	sadd.s32 @!p0 s4, s13;
	s17 =	simm.s32 @!p0 $0x4000  }
0x272: {  	[tilespmem:s17], [sflag:$0x1] =	stream.linear.gather @!p0 [hbm4b:s14+s16], $0x1000, $0x38;
	[tilespmem:$0x1B400] =	vst v63  }
0x273: {  	s14 =	sadd.s32 @!p0 s6, s13;
	s17 =	simm.s32 @!p0 $0x5000  }
0x274: {  	[tilespmem:s17], [sflag:$0x1] =	stream.linear.gather @!p0 [hbm4b:s14+s16], $0x1000, $0x38;
	[tilespmem:$0x1B400] =	vst v63  }
0x275: {  	s26 =	sadd.s32 $0x80000000, s15;
	s15 =	simm.s32 @!p0 $0x6000;
	s13 =	sadd.s32 @!p0 s7, s13  }
0x276: {  	[tilespmem:s15], [sflag:$0x1] =	stream.linear.gather @!p0 [hbm4b:s13+s16], $0x1000, $0x38;
	[tilespmem:$0x1B400] =	vst v63  }
0x277: {  	p0 =	sgt.s32 s26, $0x100  }
0x278: {  	s13 =	simm.s32 @p0 $0x1000;
	s14 =	simm.s32 @p0 $0x7000;
	s15 =	simm.s32 @p0 $0x8000  }
0x279: {  	[spmem:s9] =	stream.indirect.scatter.add.f32 @p0 [tilespmem:s15], [sflag:$0x2], $0x1, s14, s13, $0xb8;
	[tilespmem:$0x1B400] =	vst v63  }
0x27a: {  	s13 =	simm.s32 @p0 $0x2  }
0x27b: {  	s11 =	sadd.s32 $0x1, s11;
	_ =	swait.ge @p0 [sflag:s13], $0x1000  }
0x27c: {  	p1 =	sne.s32 s11, $0x20;
	s14 =	simm.s32 @!p0 $0x9000;
	[sflag:s13] =	ssyncset.done @p0 $0x0  }
0x27d: {  	s15 =	simm.s32 @!p0 $0x9180;
	[sflag:s13] =	ssyncadd.s32 @p0 $0xFFFFF000;
	s13 =	simm.s32 @!p0 $0x110  }
0x27e: {  	[spmem:s9] =	stream.indirect.scatter.add.f32 @!p0 [tilespmem:s15], [sflag:$0x3], $0x1, s14, s13, $0xb8;
	[tilespmem:$0x1B400] =	vst v63  }
.Ltmp2:
0x27f: {  	_ = 	snop;
	(pc) =	sbr.rel @p1 .LBB2_4-.Ltmp2, $4  }
0x280: {  	s13 =	simm.s32 @!p0 $0x3  }
0x281: {  	_ =	swait.ge @!p0 [sflag:s13], $0x110  }
0x282: {  	[sflag:s13] =	ssyncset.done @!p0 $0x0;
	v2 =	vld [tilespmem:$0x1FFF0]  }
0x283: {  	v0 =	vimm.f32 $0.0e+00;
	v3 =	vld [tilespmem:$0x1FFE0];
	[sflag:s13] =	ssyncadd.s32 @!p0 $0xFFFFFEF0  }
0x284: {  	s11 =	stileid.u32;
	[bflag:$0x0] =	sbarrier.arrive $0xFFFF  }
0x285: {  	s13 =	sshrl.u32 s12, $0x3;
	s15 =	simm.s32 $0x20;
	s11 =	sshll.u32 s11, $0x6  }
0x286: {  	s16 =	simm.s32 $0x10;
	s14 =	rddreg [dreg:$0x13];
	s11 =	sor.u32 $0x1C02, s11  }
0x287: {  	[hbm:s14@s15], [sflag:s11] =	dma.strided [spmem:s13@s16], $0x2000, s8, $0x10   }
0x288: {  	_ =	swait.ge [sflag:s5], $0x2000  }
0x289: {  	s10 =	sadd.s32 $0x1, s10;
	s26 =	rddreg [dreg:$0x16]  }
0x28a: {  	p0 =	sne.s32 s10, s26  }
.Ltmp3:
0x28b: {  	_ = 	snop;
	(pc) =	sbr.rel @p0 .LBB2_1-.Ltmp3, $3  }
0x28c: {  	_ =	sdelay $0x1  }
0x28d: {  	[sflag:s5] =	ssyncset.done $0x0  }
0x28e: {  	[sflag:s5] =	ssyncadd.s32 $0xFFFFE000  }
0x28f: {  	_ =	sfence.sel $0x180000  }
0x290: {  	[bflag:$0x0] =	sbarrier.arrive $0xFFFF  }
0x291: {  	_ =	strace $0x90000047  }
0x292: {  	s0 =	stileid.u32;
	[bflag:$0x2] =	sbarrier.arrive $0xFFFF  }
0x293: {  	p0 =	sne.s32 s0, $0x0;
	s0 =	rddreg [dreg:$0xa]  }
0x294: {  	s0 =	sadd.s32 @!p0 $0x100000, s0  }
0x295: {  	[sflag:s0] =	ssyncadd.tile.s32 @!p0 $0x1;
	_ =	shalt  }
.Lfunc_end2:
_tile_overlayer_lowered:
.L_overlay_start_2:
0x296: {  	(tag) =	ssettag $0x2  }
0x297: {  	s0 =	rddreg [dreg:$0x0];
	s2 =	stileid.u32  }
0x298: {  	s1 =	rddreg [dreg:$0x1];
	p0 =	sne.s32 s2, $0x0  }
0x299: {  	s3 =	rddreg [dreg:$0x2];
	[bflag:$0x3] =	sbarrier.arrive $0xFFFF;
	s2 =	simm.s32 @!p0 $0x1C02  }
0x29a: {  	[timem:s3], [sflag:s2] =	dma.local @!p0 [hbm:s0], s1  }
0x29b: {  	s0 =	simm.s32 @!p0 $0x2  }
0x29c: {  	_ =	swait.ge @!p0 [sflag:s0], s1  }
0x29d: {  	s1 =	ssub.s32 @!p0 $0x0, s1;
	[sflag:s0] =	ssyncset.done @!p0 $0x0  }
0x29e: {  	[sflag:s0] =	ssyncadd.s32 @!p0 s1  }
0x29f: {  	[bflag:$0x3] =	sbarrier.arrive $0xFFFF  }
0x2a0: {  	_ =	shalt  }

</sc_bundles>
